<compile_context>
chip_gen: v7x
topology: tpu7x:2x2x1
jax: 0.10.2.dev20260603
libtpu: 0.0.44.dev20260713+nightly
codegen_flags: <defaults>
</compile_context>

<pallas_src>
import functools

import jax
import jax.numpy as jnp
from jax import lax
from jax.experimental import pallas as pl
from jax.experimental.pallas import tpu as pltpu
from jax.experimental.pallas import tpu_sc as plsc

NC = 2
NS = 16
L = 16
NW = NC * NS
ROWS = 128
COLS = 32768
SC_ROWS = NW
TC_ROWS = ROWS - SC_ROWS
U = 8
STEPS = COLS // (U * L)
I32_MAX = 2**31 - 1

_DNUMS = lax.GatherDimensionNumbers(
    offset_dims=(), collapsed_slice_dims=(0,), start_index_map=(0,)
)


def _shuf(v, perm):
    return lax.gather(
        v, perm[:, None], _DNUMS, slice_sizes=(1,),
        mode=lax.GatherScatterMode.PROMISE_IN_BOUNDS,
    )


def _row_argmax(row_ref, lane_iota):
    ninf = jnp.full((L,), -jnp.inf, jnp.float32)
    zero = jnp.zeros((L,), jnp.int32)

    def body(i, carry):
        maxs, steps = carry
        ib = jnp.broadcast_to(i, (L,)).astype(jnp.int32)
        new_maxs = []
        new_steps = []
        base = i * (U * L)
        for k in range(U):
            v = row_ref[pl.ds(base + k * L, L)]
            take = v > maxs[k]
            new_maxs.append(jnp.where(take, v, maxs[k]))
            new_steps.append(jnp.where(take, ib, steps[k]))
        return tuple(new_maxs), tuple(new_steps)

    maxs, steps = lax.fori_loop(
        0, STEPS, body, ((ninf,) * U, (zero,) * U), unroll=False
    )

    m = maxs[0]
    idx = steps[0] * (U * L) + lane_iota
    for k in range(1, U):
        idx_k = steps[k] * (U * L) + (k * L) + lane_iota
        take = (maxs[k] > m) | ((maxs[k] == m) & (idx_k < idx))
        m = jnp.where(take, maxs[k], m)
        idx = jnp.where(take, idx_k, idx)

    for sh in (1, 2, 4, 8):
        perm = lane_iota ^ sh
        m2 = _shuf(m, perm)
        idx2 = _shuf(idx, perm)
        take = (m2 > m) | ((m2 == m) & (idx2 < idx))
        m = jnp.where(take, m2, m)
        idx = jnp.where(take, idx2, idx)
    return idx


_mesh = plsc.VectorSubcoreMesh(core_axis_name="c", subcore_axis_name="s")


@functools.partial(
    pl.kernel,
    out_type=jax.ShapeDtypeStruct((NW, L), jnp.int32),
    mesh=_mesh,
    scratch_types=[
        pltpu.VMEM((COLS,), jnp.float32),
        pltpu.VMEM((L,), jnp.int32),
        pltpu.SemaphoreType.DMA,
    ],
)
def _argmax_sc(x_hbm, out_hbm, buf, res_v, sem):
    wid = lax.axis_index("s") * NC + lax.axis_index("c")
    lane_iota = lax.iota(jnp.int32, L)
    cp = pltpu.make_async_copy(x_hbm.at[wid], buf, sem)
    cp.start()
    cp.wait()
    res_v[...] = _row_argmax(buf, lane_iota)
    pltpu.sync_copy(res_v, out_hbm.at[wid])


BS = 8192
SUB = BS // 128
GRID = COLS // BS
RB = 32
NRB = TC_ROWS // RB


def _tc_body(x_ref, out_ref, amax_ref, astep_ref):
    j = pl.program_id(1)

    @pl.when(j == 0)
    def _init():
        amax_ref[...] = jnp.full((RB, 128), -jnp.inf, jnp.float32)
        astep_ref[...] = jnp.zeros((RB, 128), jnp.int32)

    amax = amax_ref[...]
    astep = astep_ref[...]
    for s in range(SUB):
        v = x_ref[:, s * 128:(s + 1) * 128]
        step = j * SUB + s
        take = v > amax
        amax = jnp.where(take, v, amax)
        astep = jnp.where(take, step, astep)
    amax_ref[...] = amax
    astep_ref[...] = astep

    @pl.when(j == GRID - 1)
    def _finish():
        lanes = lax.broadcasted_iota(jnp.int32, (RB, 128), 1)
        idx = astep * 128 + lanes
        gmax = jnp.max(amax, axis=1, keepdims=True)
        cand = jnp.where(amax == gmax, idx, I32_MAX)
        out_ref[...] = jnp.min(cand, axis=1).reshape(1, 1, RB)


_argmax_tc = pl.pallas_call(
    _tc_body,
    grid=(NRB, GRID),
    in_specs=[pl.BlockSpec((RB, BS), lambda i, j: (i + SC_ROWS // RB, j))],
    out_specs=pl.BlockSpec((1, 1, RB), lambda i, j: (i, 0, 0)),
    out_shape=jax.ShapeDtypeStruct((NRB, 1, RB), jnp.int32),
    scratch_shapes=[
        pltpu.VMEM((RB, 128), jnp.float32),
        pltpu.VMEM((RB, 128), jnp.int32),
    ],
)


@jax.jit
def kernel(x):
    sc_out = _argmax_sc(x)
    tc_out = _argmax_tc(x)
    return jnp.concatenate([sc_out[:, 0], tc_out.reshape(TC_ROWS)])

# --- scband reference (transcript-rebuilt; emitter-appended) ---
"""Pipeline reference for scband-append-top-k-1082331759376 (READ-ONLY COPY).

The authoritative reference and input builder live on the scoring server;
editing this copy changes nothing except your own understanding.
"""

import jax, jax.numpy as jnp
import numpy as np


def setup_inputs(seed: int = 0) -> dict:
    key = jax.random.key(seed)
    x = jax.random.normal(key, (128, 32768), dtype=jnp.float32)
    return {"x": x}


def reference(x):
    # AppendTopK with model = identity: forward is model(x) followed by argmax over dim 1.
    y = x  # identity model
    return jnp.argmax(y, axis=1)

if __name__ == "__main__":
    import jax
    _d = setup_inputs()
    print(jax.jit(kernel)(*tuple(_d.values())))

</pallas_src>

<mosaic_0001>
#map = affine_map<(d0, d1) -> (0, 0)>
module attributes {stable_mosaic.version = 14 : i64} {
  func.func @_argmax_sc(%arg0: i32, %arg1: i32, %arg2: memref<128x32768xf32, #tpu.memory_space<hbm>>, %arg3: memref<32x16xi32, #tpu.memory_space<hbm>>, %arg4: memref<32768xf32, #tpu.memory_space<vmem>>, %arg5: memref<16xi32, #tpu.memory_space<vmem>>, %arg6: memref<!tpu.dma_semaphore, #tpu.memory_space<semaphore_mem>>) attributes {dimension_semantics = [#tpu.dimension_semantics<core_parallel>, #tpu.dimension_semantics<subcore_parallel>], iteration_bounds = array<i64: 2, 16>, scalar_prefetch = 0 : i64, scratch_operands = 3 : i64, tpu.core_type = #tpu.core_type<sc_vector_subcore>, window_params = [{transform_indices = #map}, {transform_indices = #map}]} {
    %mul3A = arith.constant 2 : i32
    %mul3A_0 = arith.muli %arg1, %mul3A : i32
    %add3A = arith.addi %mul3A_0, %arg0 : i32
    %iota3A = tpu.iota {dimensions = array<i32: 0>} : vector<16xi32>
    %dma_start3A = arith.constant 0 : i32
    %dma_start3A_1 = tpu.memref_slice %arg2[%add3A, %dma_start3A] : memref<128x32768xf32, #tpu.memory_space<hbm>> -> memref<1x32768xf32, #tpu.memory_space<hbm>>
    %dma_start3A_2 = tpu.memref_squeeze %dma_start3A_1 : memref<1x32768xf32, #tpu.memory_space<hbm>> -> memref<32768xf32, #tpu.memory_space<hbm>>
    %dma_start3A_3 = arith.constant 0 : i32
    %dma_start3A_4 = tpu.memref_slice %arg2[%add3A, %dma_start3A_3] : memref<128x32768xf32, #tpu.memory_space<hbm>> -> memref<1x32768xf32, #tpu.memory_space<hbm>>
    %dma_start3A_5 = tpu.memref_squeeze %dma_start3A_4 : memref<1x32768xf32, #tpu.memory_space<hbm>> -> memref<32768xf32, #tpu.memory_space<hbm>>
    tpu.enqueue_dma source(%dma_start3A_5 : memref<32768xf32, #tpu.memory_space<hbm>>) target(%arg4 : memref<32768xf32, #tpu.memory_space<vmem>>) target_semaphore(%arg6 : memref<!tpu.dma_semaphore, #tpu.memory_space<semaphore_mem>>)
    %dma_wait3A = arith.constant 0 : i32
    %dma_wait3A_6 = tpu.memref_slice %arg2[%add3A, %dma_wait3A] : memref<128x32768xf32, #tpu.memory_space<hbm>> -> memref<1x32768xf32, #tpu.memory_space<hbm>>
    %dma_wait3A_7 = tpu.memref_squeeze %dma_wait3A_6 : memref<1x32768xf32, #tpu.memory_space<hbm>> -> memref<32768xf32, #tpu.memory_space<hbm>>
    %dma_wait3A_8 = arith.constant 0 : i32
    %dma_wait3A_9 = tpu.memref_slice %arg2[%add3A, %dma_wait3A_8] : memref<128x32768xf32, #tpu.memory_space<hbm>> -> memref<1x32768xf32, #tpu.memory_space<hbm>>
    %dma_wait3A_10 = tpu.memref_squeeze %dma_wait3A_9 : memref<1x32768xf32, #tpu.memory_space<hbm>> -> memref<32768xf32, #tpu.memory_space<hbm>>
    tpu.wait_dma2 semaphore(%arg6 : memref<!tpu.dma_semaphore, #tpu.memory_space<semaphore_mem>>) src(%dma_wait3A_10 : memref<32768xf32, #tpu.memory_space<hbm>>) dst(%arg4 : memref<32768xf32, #tpu.memory_space<vmem>>)
    %broadcast_in_dim3A = arith.constant 0xFF800000 : f32
    %broadcast_in_dim3A_11 = vector.broadcast %broadcast_in_dim3A : f32 to vector<16xf32>
    %broadcast_in_dim3A_12 = arith.constant 0 : i32
    %broadcast_in_dim3A_13 = vector.broadcast %broadcast_in_dim3A_12 : i32 to vector<16xi32>
    %scan3A = arith.constant 0 : i32
    %scan3A_14 = arith.constant 256 : i32
    %scan3A_15 = arith.addi %scan3A, %scan3A_14 : i32
    %scan3A_16 = arith.constant 1 : i32
    %scan3A_17:16 = scf.for %scan3A_180 = %scan3A to %scan3A_15 step %scan3A_16 iter_args(%scan3A_181 = %broadcast_in_dim3A_11, %scan3A_182 = %broadcast_in_dim3A_11, %scan3A_183 = %broadcast_in_dim3A_11, %scan3A_184 = %broadcast_in_dim3A_11, %scan3A_185 = %broadcast_in_dim3A_11, %scan3A_186 = %broadcast_in_dim3A_11, %scan3A_187 = %broadcast_in_dim3A_11, %scan3A_188 = %broadcast_in_dim3A_11, %scan3A_189 = %broadcast_in_dim3A_13, %scan3A_190 = %broadcast_in_dim3A_13, %scan3A_191 = %broadcast_in_dim3A_13, %scan3A_192 = %broadcast_in_dim3A_13, %scan3A_193 = %broadcast_in_dim3A_13, %scan3A_194 = %broadcast_in_dim3A_13, %scan3A_195 = %broadcast_in_dim3A_13, %scan3A_196 = %broadcast_in_dim3A_13) -> (vector<16xf32>, vector<16xf32>, vector<16xf32>, vector<16xf32>, vector<16xf32>, vector<16xf32>, vector<16xf32>, vector<16xf32>, vector<16xi32>, vector<16xi32>, vector<16xi32>, vector<16xi32>, vector<16xi32>, vector<16xi32>, vector<16xi32>, vector<16xi32>)  : i32 {
      %broadcast_in_dim3A_197 = vector.broadcast %scan3A_180 : i32 to vector<16xi32>
      %mul3A_198 = arith.constant 128 : i32
      %mul3A_199 = arith.muli %scan3A_180, %mul3A_198 : i32
      %add3A_200 = arith.constant 0 : i32
      %add3A_201 = arith.addi %mul3A_199, %add3A_200 : i32
      %get3A = arith.index_cast %add3A_201 : i32 to index
      %get3A_202 = tpu.vector_load %arg4[%get3A] {strides = array<i32>} : memref<32768xf32, #tpu.memory_space<vmem>>, vector<16xf32>,
      %get3A_203 = vector.shape_cast %get3A_202 : vector<16xf32> to vector<16xf32>
      %gt3A_204 = arith.cmpf ogt, %get3A_203, %scan3A_181 : vector<16xf32>
      %select_n3A_205 = arith.select %gt3A_204, %get3A_203, %scan3A_181 : vector<16xi1>, vector<16xf32>
      %select_n3A_206 = arith.select %gt3A_204, %broadcast_in_dim3A_197, %scan3A_189 : vector<16xi1>, vector<16xi32>
      %add3A_207 = arith.constant 16 : i32
      %add3A_208 = arith.addi %mul3A_199, %add3A_207 : i32
      %get3A_209 = arith.index_cast %add3A_208 : i32 to index
      %get3A_210 = tpu.vector_load %arg4[%get3A_209] {strides = array<i32>} : memref<32768xf32, #tpu.memory_space<vmem>>, vector<16xf32>,
      %get3A_211 = vector.shape_cast %get3A_210 : vector<16xf32> to vector<16xf32>
      %gt3A_212 = arith.cmpf ogt, %get3A_211, %scan3A_182 : vector<16xf32>
      %select_n3A_213 = arith.select %gt3A_212, %get3A_211, %scan3A_182 : vector<16xi1>, vector<16xf32>
      %select_n3A_214 = arith.select %gt3A_212, %broadcast_in_dim3A_197, %scan3A_190 : vector<16xi1>, vector<16xi32>
      %add3A_215 = arith.constant 32 : i32
      %add3A_216 = arith.addi %mul3A_199, %add3A_215 : i32
      %get3A_217 = arith.index_cast %add3A_216 : i32 to index
      %get3A_218 = tpu.vector_load %arg4[%get3A_217] {strides = array<i32>} : memref<32768xf32, #tpu.memory_space<vmem>>, vector<16xf32>,
      %get3A_219 = vector.shape_cast %get3A_218 : vector<16xf32> to vector<16xf32>
      %gt3A_220 = arith.cmpf ogt, %get3A_219, %scan3A_183 : vector<16xf32>
      %select_n3A_221 = arith.select %gt3A_220, %get3A_219, %scan3A_183 : vector<16xi1>, vector<16xf32>
      %select_n3A_222 = arith.select %gt3A_220, %broadcast_in_dim3A_197, %scan3A_191 : vector<16xi1>, vector<16xi32>
      %add3A_223 = arith.constant 48 : i32
      %add3A_224 = arith.addi %mul3A_199, %add3A_223 : i32
      %get3A_225 = arith.index_cast %add3A_224 : i32 to index
      %get3A_226 = tpu.vector_load %arg4[%get3A_225] {strides = array<i32>} : memref<32768xf32, #tpu.memory_space<vmem>>, vector<16xf32>,
      %get3A_227 = vector.shape_cast %get3A_226 : vector<16xf32> to vector<16xf32>
      %gt3A_228 = arith.cmpf ogt, %get3A_227, %scan3A_184 : vector<16xf32>
      %select_n3A_229 = arith.select %gt3A_228, %get3A_227, %scan3A_184 : vector<16xi1>, vector<16xf32>
      %select_n3A_230 = arith.select %gt3A_228, %broadcast_in_dim3A_197, %scan3A_192 : vector<16xi1>, vector<16xi32>
      %add3A_231 = arith.constant 64 : i32
      %add3A_232 = arith.addi %mul3A_199, %add3A_231 : i32
      %get3A_233 = arith.index_cast %add3A_232 : i32 to index
      %get3A_234 = tpu.vector_load %arg4[%get3A_233] {strides = array<i32>} : memref<32768xf32, #tpu.memory_space<vmem>>, vector<16xf32>,
      %get3A_235 = vector.shape_cast %get3A_234 : vector<16xf32> to vector<16xf32>
      %gt3A_236 = arith.cmpf ogt, %get3A_235, %scan3A_185 : vector<16xf32>
      %select_n3A_237 = arith.select %gt3A_236, %get3A_235, %scan3A_185 : vector<16xi1>, vector<16xf32>
      %select_n3A_238 = arith.select %gt3A_236, %broadcast_in_dim3A_197, %scan3A_193 : vector<16xi1>, vector<16xi32>
      %add3A_239 = arith.constant 80 : i32
      %add3A_240 = arith.addi %mul3A_199, %add3A_239 : i32
      %get3A_241 = arith.index_cast %add3A_240 : i32 to index
      %get3A_242 = tpu.vector_load %arg4[%get3A_241] {strides = array<i32>} : memref<32768xf32, #tpu.memory_space<vmem>>, vector<16xf32>,
      %get3A_243 = vector.shape_cast %get3A_242 : vector<16xf32> to vector<16xf32>
      %gt3A_244 = arith.cmpf ogt, %get3A_243, %scan3A_186 : vector<16xf32>
      %select_n3A_245 = arith.select %gt3A_244, %get3A_243, %scan3A_186 : vector<16xi1>, vector<16xf32>
      %select_n3A_246 = arith.select %gt3A_244, %broadcast_in_dim3A_197, %scan3A_194 : vector<16xi1>, vector<16xi32>
      %add3A_247 = arith.constant 96 : i32
      %add3A_248 = arith.addi %mul3A_199, %add3A_247 : i32
      %get3A_249 = arith.index_cast %add3A_248 : i32 to index
      %get3A_250 = tpu.vector_load %arg4[%get3A_249] {strides = array<i32>} : memref<32768xf32, #tpu.memory_space<vmem>>, vector<16xf32>,
      %get3A_251 = vector.shape_cast %get3A_250 : vector<16xf32> to vector<16xf32>
      %gt3A_252 = arith.cmpf ogt, %get3A_251, %scan3A_187 : vector<16xf32>
      %select_n3A_253 = arith.select %gt3A_252, %get3A_251, %scan3A_187 : vector<16xi1>, vector<16xf32>
      %select_n3A_254 = arith.select %gt3A_252, %broadcast_in_dim3A_197, %scan3A_195 : vector<16xi1>, vector<16xi32>
      %add3A_255 = arith.constant 112 : i32
      %add3A_256 = arith.addi %mul3A_199, %add3A_255 : i32
      %get3A_257 = arith.index_cast %add3A_256 : i32 to index
      %get3A_258 = tpu.vector_load %arg4[%get3A_257] {strides = array<i32>} : memref<32768xf32, #tpu.memory_space<vmem>>, vector<16xf32>,
      %get3A_259 = vector.shape_cast %get3A_258 : vector<16xf32> to vector<16xf32>
      %gt3A_260 = arith.cmpf ogt, %get3A_259, %scan3A_188 : vector<16xf32>
      %select_n3A_261 = arith.select %gt3A_260, %get3A_259, %scan3A_188 : vector<16xi1>, vector<16xf32>
      %select_n3A_262 = arith.select %gt3A_260, %broadcast_in_dim3A_197, %scan3A_196 : vector<16xi1>, vector<16xi32>
      scf.yield %select_n3A_205, %select_n3A_213, %select_n3A_221, %select_n3A_229, %select_n3A_237, %select_n3A_245, %select_n3A_253, %select_n3A_261, %select_n3A_206, %select_n3A_214, %select_n3A_222, %select_n3A_230, %select_n3A_238, %select_n3A_246, %select_n3A_254, %select_n3A_262 : vector<16xf32>, vector<16xf32>, vector<16xf32>, vector<16xf32>, vector<16xf32>, vector<16xf32>, vector<16xf32>, vector<16xf32>, vector<16xi32>, vector<16xi32>, vector<16xi32>, vector<16xi32>, vector<16xi32>, vector<16xi32>, vector<16xi32>, vector<16xi32>
    }
    %scan3A_18 = arith.constant 256 : i32
    %mul3A_19 = arith.constant 128 : i32
    %mul3A_20 = vector.broadcast %mul3A_19 : i32 to vector<16xi32>
    %mul3A_21 = arith.muli %scan3A_17#8, %mul3A_20 : vector<16xi32>
    %add3A_22 = arith.addi %mul3A_21, %iota3A : vector<16xi32>
    %mul3A_23 = arith.constant 128 : i32
    %mul3A_24 = vector.broadcast %mul3A_23 : i32 to vector<16xi32>
    %mul3A_25 = arith.muli %scan3A_17#9, %mul3A_24 : vector<16xi32>
    %add3A_26 = arith.constant 16 : i32
    %add3A_27 = vector.broadcast %add3A_26 : i32 to vector<16xi32>
    %add3A_28 = arith.addi %mul3A_25, %add3A_27 : vector<16xi32>
    %add3A_29 = arith.addi %add3A_28, %iota3A : vector<16xi32>
    %gt3A = arith.cmpf ogt, %scan3A_17#1, %scan3A_17#0 : vector<16xf32>
    %eq3A = arith.cmpf oeq, %scan3A_17#1, %scan3A_17#0 : vector<16xf32>
    %lt3A = arith.cmpi slt, %add3A_29, %add3A_22 : vector<16xi32>
    %and3A = arith.andi %eq3A, %lt3A : vector<16xi1>
    %or3A = arith.ori %gt3A, %and3A : vector<16xi1>
    %select_n3A = arith.select %or3A, %scan3A_17#1, %scan3A_17#0 : vector<16xi1>, vector<16xf32>
    %select_n3A_30 = arith.select %or3A, %add3A_29, %add3A_22 : vector<16xi1>, vector<16xi32>
    %mul3A_31 = arith.constant 128 : i32
    %mul3A_32 = vector.broadcast %mul3A_31 : i32 to vector<16xi32>
    %mul3A_33 = arith.muli %scan3A_17#10, %mul3A_32 : vector<16xi32>
    %add3A_34 = arith.constant 32 : i32
    %add3A_35 = vector.broadcast %add3A_34 : i32 to vector<16xi32>
    %add3A_36 = arith.addi %mul3A_33, %add3A_35 : vector<16xi32>
    %add3A_37 = arith.addi %add3A_36, %iota3A : vector<16xi32>
    %gt3A_38 = arith.cmpf ogt, %scan3A_17#2, %select_n3A : vector<16xf32>
    %eq3A_39 = arith.cmpf oeq, %scan3A_17#2, %select_n3A : vector<16xf32>
    %lt3A_40 = arith.cmpi slt, %add3A_37, %select_n3A_30 : vector<16xi32>
    %and3A_41 = arith.andi %eq3A_39, %lt3A_40 : vector<16xi1>
    %or3A_42 = arith.ori %gt3A_38, %and3A_41 : vector<16xi1>
    %select_n3A_43 = arith.select %or3A_42, %scan3A_17#2, %select_n3A : vector<16xi1>, vector<16xf32>
    %select_n3A_44 = arith.select %or3A_42, %add3A_37, %select_n3A_30 : vector<16xi1>, vector<16xi32>
    %mul3A_45 = arith.constant 128 : i32
    %mul3A_46 = vector.broadcast %mul3A_45 : i32 to vector<16xi32>
    %mul3A_47 = arith.muli %scan3A_17#11, %mul3A_46 : vector<16xi32>
    %add3A_48 = arith.constant 48 : i32
    %add3A_49 = vector.broadcast %add3A_48 : i32 to vector<16xi32>
    %add3A_50 = arith.addi %mul3A_47, %add3A_49 : vector<16xi32>
    %add3A_51 = arith.addi %add3A_50, %iota3A : vector<16xi32>
    %gt3A_52 = arith.cmpf ogt, %scan3A_17#3, %select_n3A_43 : vector<16xf32>
    %eq3A_53 = arith.cmpf oeq, %scan3A_17#3, %select_n3A_43 : vector<16xf32>
    %lt3A_54 = arith.cmpi slt, %add3A_51, %select_n3A_44 : vector<16xi32>
    %and3A_55 = arith.andi %eq3A_53, %lt3A_54 : vector<16xi1>
    %or3A_56 = arith.ori %gt3A_52, %and3A_55 : vector<16xi1>
    %select_n3A_57 = arith.select %or3A_56, %scan3A_17#3, %select_n3A_43 : vector<16xi1>, vector<16xf32>
    %select_n3A_58 = arith.select %or3A_56, %add3A_51, %select_n3A_44 : vector<16xi1>, vector<16xi32>
    %mul3A_59 = arith.constant 128 : i32
    %mul3A_60 = vector.broadcast %mul3A_59 : i32 to vector<16xi32>
    %mul3A_61 = arith.muli %scan3A_17#12, %mul3A_60 : vector<16xi32>
    %add3A_62 = arith.constant 64 : i32
    %add3A_63 = vector.broadcast %add3A_62 : i32 to vector<16xi32>
    %add3A_64 = arith.addi %mul3A_61, %add3A_63 : vector<16xi32>
    %add3A_65 = arith.addi %add3A_64, %iota3A : vector<16xi32>
    %gt3A_66 = arith.cmpf ogt, %scan3A_17#4, %select_n3A_57 : vector<16xf32>
    %eq3A_67 = arith.cmpf oeq, %scan3A_17#4, %select_n3A_57 : vector<16xf32>
    %lt3A_68 = arith.cmpi slt, %add3A_65, %select_n3A_58 : vector<16xi32>
    %and3A_69 = arith.andi %eq3A_67, %lt3A_68 : vector<16xi1>
    %or3A_70 = arith.ori %gt3A_66, %and3A_69 : vector<16xi1>
    %select_n3A_71 = arith.select %or3A_70, %scan3A_17#4, %select_n3A_57 : vector<16xi1>, vector<16xf32>
    %select_n3A_72 = arith.select %or3A_70, %add3A_65, %select_n3A_58 : vector<16xi1>, vector<16xi32>
    %mul3A_73 = arith.constant 128 : i32
    %mul3A_74 = vector.broadcast %mul3A_73 : i32 to vector<16xi32>
    %mul3A_75 = arith.muli %scan3A_17#13, %mul3A_74 : vector<16xi32>
    %add3A_76 = arith.constant 80 : i32
    %add3A_77 = vector.broadcast %add3A_76 : i32 to vector<16xi32>
    %add3A_78 = arith.addi %mul3A_75, %add3A_77 : vector<16xi32>
    %add3A_79 = arith.addi %add3A_78, %iota3A : vector<16xi32>
    %gt3A_80 = arith.cmpf ogt, %scan3A_17#5, %select_n3A_71 : vector<16xf32>
    %eq3A_81 = arith.cmpf oeq, %scan3A_17#5, %select_n3A_71 : vector<16xf32>
    %lt3A_82 = arith.cmpi slt, %add3A_79, %select_n3A_72 : vector<16xi32>
    %and3A_83 = arith.andi %eq3A_81, %lt3A_82 : vector<16xi1>
    %or3A_84 = arith.ori %gt3A_80, %and3A_83 : vector<16xi1>
    %select_n3A_85 = arith.select %or3A_84, %scan3A_17#5, %select_n3A_71 : vector<16xi1>, vector<16xf32>
    %select_n3A_86 = arith.select %or3A_84, %add3A_79, %select_n3A_72 : vector<16xi1>, vector<16xi32>
    %mul3A_87 = arith.constant 128 : i32
    %mul3A_88 = vector.broadcast %mul3A_87 : i32 to vector<16xi32>
    %mul3A_89 = arith.muli %scan3A_17#14, %mul3A_88 : vector<16xi32>
    %add3A_90 = arith.constant 96 : i32
    %add3A_91 = vector.broadcast %add3A_90 : i32 to vector<16xi32>
    %add3A_92 = arith.addi %mul3A_89, %add3A_91 : vector<16xi32>
    %add3A_93 = arith.addi %add3A_92, %iota3A : vector<16xi32>
    %gt3A_94 = arith.cmpf ogt, %scan3A_17#6, %select_n3A_85 : vector<16xf32>
    %eq3A_95 = arith.cmpf oeq, %scan3A_17#6, %select_n3A_85 : vector<16xf32>
    %lt3A_96 = arith.cmpi slt, %add3A_93, %select_n3A_86 : vector<16xi32>
    %and3A_97 = arith.andi %eq3A_95, %lt3A_96 : vector<16xi1>
    %or3A_98 = arith.ori %gt3A_94, %and3A_97 : vector<16xi1>
    %select_n3A_99 = arith.select %or3A_98, %scan3A_17#6, %select_n3A_85 : vector<16xi1>, vector<16xf32>
    %select_n3A_100 = arith.select %or3A_98, %add3A_93, %select_n3A_86 : vector<16xi1>, vector<16xi32>
    %mul3A_101 = arith.constant 128 : i32
    %mul3A_102 = vector.broadcast %mul3A_101 : i32 to vector<16xi32>
    %mul3A_103 = arith.muli %scan3A_17#15, %mul3A_102 : vector<16xi32>
    %add3A_104 = arith.constant 112 : i32
    %add3A_105 = vector.broadcast %add3A_104 : i32 to vector<16xi32>
    %add3A_106 = arith.addi %mul3A_103, %add3A_105 : vector<16xi32>
    %add3A_107 = arith.addi %add3A_106, %iota3A : vector<16xi32>
    %gt3A_108 = arith.cmpf ogt, %scan3A_17#7, %select_n3A_99 : vector<16xf32>
    %eq3A_109 = arith.cmpf oeq, %scan3A_17#7, %select_n3A_99 : vector<16xf32>
    %lt3A_110 = arith.cmpi slt, %add3A_107, %select_n3A_100 : vector<16xi32>
    %and3A_111 = arith.andi %eq3A_109, %lt3A_110 : vector<16xi1>
    %or3A_112 = arith.ori %gt3A_108, %and3A_111 : vector<16xi1>
    %select_n3A_113 = arith.select %or3A_112, %scan3A_17#7, %select_n3A_99 : vector<16xi1>, vector<16xf32>
    %select_n3A_114 = arith.select %or3A_112, %add3A_107, %select_n3A_100 : vector<16xi1>, vector<16xi32>
    %xor3A = arith.constant 1 : i32
    %xor3A_115 = vector.broadcast %xor3A : i32 to vector<16xi32>
    %xor3A_116 = arith.xori %iota3A, %xor3A_115 : vector<16xi32>
    %broadcast_in_dim3A_117 = vector.shape_cast %xor3A_116 : vector<16xi32> to vector<16x1xi32>
    %gather3A = vector.shape_cast %broadcast_in_dim3A_117 : vector<16x1xi32> to vector<16xi32>
    %gather3A_118 = tpu.dynamic_gather %select_n3A_113[%gather3A] in [0] : vector<16xf32>, vector<16xi32> -> vector<16xf32>
    %broadcast_in_dim3A_119 = vector.shape_cast %xor3A_116 : vector<16xi32> to vector<16x1xi32>
    %gather3A_120 = vector.shape_cast %broadcast_in_dim3A_119 : vector<16x1xi32> to vector<16xi32>
    %gather3A_121 = tpu.dynamic_gather %select_n3A_114[%gather3A_120] in [0] : vector<16xi32>, vector<16xi32> -> vector<16xi32>
    %gt3A_122 = arith.cmpf ogt, %gather3A_118, %select_n3A_113 : vector<16xf32>
    %eq3A_123 = arith.cmpf oeq, %gather3A_118, %select_n3A_113 : vector<16xf32>
    %lt3A_124 = arith.cmpi slt, %gather3A_121, %select_n3A_114 : vector<16xi32>
    %and3A_125 = arith.andi %eq3A_123, %lt3A_124 : vector<16xi1>
    %or3A_126 = arith.ori %gt3A_122, %and3A_125 : vector<16xi1>
    %select_n3A_127 = arith.select %or3A_126, %gather3A_118, %select_n3A_113 : vector<16xi1>, vector<16xf32>
    %select_n3A_128 = arith.select %or3A_126, %gather3A_121, %select_n3A_114 : vector<16xi1>, vector<16xi32>
    %xor3A_129 = arith.constant 2 : i32
    %xor3A_130 = vector.broadcast %xor3A_129 : i32 to vector<16xi32>
    %xor3A_131 = arith.xori %iota3A, %xor3A_130 : vector<16xi32>
    %broadcast_in_dim3A_132 = vector.shape_cast %xor3A_131 : vector<16xi32> to vector<16x1xi32>
    %gather3A_133 = vector.shape_cast %broadcast_in_dim3A_132 : vector<16x1xi32> to vector<16xi32>
    %gather3A_134 = tpu.dynamic_gather %select_n3A_127[%gather3A_133] in [0] : vector<16xf32>, vector<16xi32> -> vector<16xf32>
    %broadcast_in_dim3A_135 = vector.shape_cast %xor3A_131 : vector<16xi32> to vector<16x1xi32>
    %gather3A_136 = vector.shape_cast %broadcast_in_dim3A_135 : vector<16x1xi32> to vector<16xi32>
    %gather3A_137 = tpu.dynamic_gather %select_n3A_128[%gather3A_136] in [0] : vector<16xi32>, vector<16xi32> -> vector<16xi32>
    %gt3A_138 = arith.cmpf ogt, %gather3A_134, %select_n3A_127 : vector<16xf32>
    %eq3A_139 = arith.cmpf oeq, %gather3A_134, %select_n3A_127 : vector<16xf32>
    %lt3A_140 = arith.cmpi slt, %gather3A_137, %select_n3A_128 : vector<16xi32>
    %and3A_141 = arith.andi %eq3A_139, %lt3A_140 : vector<16xi1>
    %or3A_142 = arith.ori %gt3A_138, %and3A_141 : vector<16xi1>
    %select_n3A_143 = arith.select %or3A_142, %gather3A_134, %select_n3A_127 : vector<16xi1>, vector<16xf32>
    %select_n3A_144 = arith.select %or3A_142, %gather3A_137, %select_n3A_128 : vector<16xi1>, vector<16xi32>
    %xor3A_145 = arith.constant 4 : i32
    %xor3A_146 = vector.broadcast %xor3A_145 : i32 to vector<16xi32>
    %xor3A_147 = arith.xori %iota3A, %xor3A_146 : vector<16xi32>
    %broadcast_in_dim3A_148 = vector.shape_cast %xor3A_147 : vector<16xi32> to vector<16x1xi32>
    %gather3A_149 = vector.shape_cast %broadcast_in_dim3A_148 : vector<16x1xi32> to vector<16xi32>
    %gather3A_150 = tpu.dynamic_gather %select_n3A_143[%gather3A_149] in [0] : vector<16xf32>, vector<16xi32> -> vector<16xf32>
    %broadcast_in_dim3A_151 = vector.shape_cast %xor3A_147 : vector<16xi32> to vector<16x1xi32>
    %gather3A_152 = vector.shape_cast %broadcast_in_dim3A_151 : vector<16x1xi32> to vector<16xi32>
    %gather3A_153 = tpu.dynamic_gather %select_n3A_144[%gather3A_152] in [0] : vector<16xi32>, vector<16xi32> -> vector<16xi32>
    %gt3A_154 = arith.cmpf ogt, %gather3A_150, %select_n3A_143 : vector<16xf32>
    %eq3A_155 = arith.cmpf oeq, %gather3A_150, %select_n3A_143 : vector<16xf32>
    %lt3A_156 = arith.cmpi slt, %gather3A_153, %select_n3A_144 : vector<16xi32>
    %and3A_157 = arith.andi %eq3A_155, %lt3A_156 : vector<16xi1>
    %or3A_158 = arith.ori %gt3A_154, %and3A_157 : vector<16xi1>
    %select_n3A_159 = arith.select %or3A_158, %gather3A_150, %select_n3A_143 : vector<16xi1>, vector<16xf32>
    %select_n3A_160 = arith.select %or3A_158, %gather3A_153, %select_n3A_144 : vector<16xi1>, vector<16xi32>
    %xor3A_161 = arith.constant 8 : i32
    %xor3A_162 = vector.broadcast %xor3A_161 : i32 to vector<16xi32>
    %xor3A_163 = arith.xori %iota3A, %xor3A_162 : vector<16xi32>
    %broadcast_in_dim3A_164 = vector.shape_cast %xor3A_163 : vector<16xi32> to vector<16x1xi32>
    %gather3A_165 = vector.shape_cast %broadcast_in_dim3A_164 : vector<16x1xi32> to vector<16xi32>
    %gather3A_166 = tpu.dynamic_gather %select_n3A_159[%gather3A_165] in [0] : vector<16xf32>, vector<16xi32> -> vector<16xf32>
    %broadcast_in_dim3A_167 = vector.shape_cast %xor3A_163 : vector<16xi32> to vector<16x1xi32>
    %gather3A_168 = vector.shape_cast %broadcast_in_dim3A_167 : vector<16x1xi32> to vector<16xi32>
    %gather3A_169 = tpu.dynamic_gather %select_n3A_160[%gather3A_168] in [0] : vector<16xi32>, vector<16xi32> -> vector<16xi32>
    %gt3A_170 = arith.cmpf ogt, %gather3A_166, %select_n3A_159 : vector<16xf32>
    %eq3A_171 = arith.cmpf oeq, %gather3A_166, %select_n3A_159 : vector<16xf32>
    %lt3A_172 = arith.cmpi slt, %gather3A_169, %select_n3A_160 : vector<16xi32>
    %and3A_173 = arith.andi %eq3A_171, %lt3A_172 : vector<16xi1>
    %or3A_174 = arith.ori %gt3A_170, %and3A_173 : vector<16xi1>
    %select_n3A_175 = arith.select %or3A_174, %gather3A_166, %select_n3A_159 : vector<16xi1>, vector<16xf32>
    %select_n3A_176 = arith.select %or3A_174, %gather3A_169, %select_n3A_160 : vector<16xi1>, vector<16xi32>
    %swap3A = arith.constant 0 : index
    %swap3A_177 = tpu.vector_load %arg5[%swap3A] {strides = array<i32>} : memref<16xi32, #tpu.memory_space<vmem>>, vector<16xi32>,
    %swap3A_178 = vector.shape_cast %swap3A_177 : vector<16xi32> to vector<16xi32>
    %swap3A_179 = vector.shape_cast %select_n3A_176 : vector<16xi32> to vector<16xi32>
    tpu.vector_store %arg5[%swap3A], %swap3A_179 {strides = array<i32>} : memref<16xi32, #tpu.memory_space<vmem>>, vector<16xi32>,
    "tpu.region"() ({
      %run_scoped3A = tpu.sem_alloc : memref<!tpu.dma_semaphore, #tpu.memory_space<semaphore_mem>>
      %dma_start3A_180 = arith.constant 0 : i32
      %dma_start3A_181 = tpu.memref_slice %arg3[%add3A, %dma_start3A_180] : memref<32x16xi32, #tpu.memory_space<hbm>> -> memref<1x16xi32, #tpu.memory_space<hbm>>
      %dma_start3A_182 = tpu.memref_squeeze %dma_start3A_181 : memref<1x16xi32, #tpu.memory_space<hbm>> -> memref<16xi32, #tpu.memory_space<hbm>>
      %dma_start3A_183 = arith.constant 0 : i32
      %dma_start3A_184 = tpu.memref_slice %arg3[%add3A, %dma_start3A_183] : memref<32x16xi32, #tpu.memory_space<hbm>> -> memref<1x16xi32, #tpu.memory_space<hbm>>
      %dma_start3A_185 = tpu.memref_squeeze %dma_start3A_184 : memref<1x16xi32, #tpu.memory_space<hbm>> -> memref<16xi32, #tpu.memory_space<hbm>>
      tpu.enqueue_dma source(%arg5 : memref<16xi32, #tpu.memory_space<vmem>>) target(%dma_start3A_185 : memref<16xi32, #tpu.memory_space<hbm>>) target_semaphore(%run_scoped3A : memref<!tpu.dma_semaphore, #tpu.memory_space<semaphore_mem>>)
      %dma_wait3A_186 = arith.constant 0 : i32
      %dma_wait3A_187 = tpu.memref_slice %arg3[%add3A, %dma_wait3A_186] : memref<32x16xi32, #tpu.memory_space<hbm>> -> memref<1x16xi32, #tpu.memory_space<hbm>>
      %dma_wait3A_188 = tpu.memref_squeeze %dma_wait3A_187 : memref<1x16xi32, #tpu.memory_space<hbm>> -> memref<16xi32, #tpu.memory_space<hbm>>
      %dma_wait3A_189 = arith.constant 0 : i32
      %dma_wait3A_190 = tpu.memref_slice %arg3[%add3A, %dma_wait3A_189] : memref<32x16xi32, #tpu.memory_space<hbm>> -> memref<1x16xi32, #tpu.memory_space<hbm>>
      %dma_wait3A_191 = tpu.memref_squeeze %dma_wait3A_190 : memref<1x16xi32, #tpu.memory_space<hbm>> -> memref<16xi32, #tpu.memory_space<hbm>>
      tpu.wait_dma2 semaphore(%run_scoped3A : memref<!tpu.dma_semaphore, #tpu.memory_space<semaphore_mem>>) src(%arg5 : memref<16xi32, #tpu.memory_space<vmem>>) dst(%dma_wait3A_191 : memref<16xi32, #tpu.memory_space<hbm>>)
      tpu.yield
    }) : () -> ()
    return
  }
}

module attributes {stable_mosaic.version = 14 : i64} {
  func.func @_tc_body(%arg0: i32, %arg1: i32, %arg2: memref<32x8192xf32, #tpu.memory_space<vmem>>, %arg3: memref<1x1x32xi32, #tpu.memory_space<vmem>>, %arg4: memref<32x128xf32, #tpu.memory_space<vmem>>, %arg5: memref<32x128xi32, #tpu.memory_space<vmem>>) attributes {dimension_semantics = [#tpu.dimension_semantics<arbitrary>, #tpu.dimension_semantics<arbitrary>], iteration_bounds = array<i64: 3, 4>, scalar_prefetch = 0 : i64, scratch_operands = 2 : i64, tpu.core_type = #tpu.core_type<tc>, window_params = [{transform_indices = @transform_0, window_bounds = array<i64: 32, 8192>}, {transform_indices = @transform_1, window_bounds = array<i64: 1, 1, 32>}]} {
    %eq3A = arith.constant 0 : i32
    %eq3A_0 = arith.cmpi eq, %arg1, %eq3A : i32
    %convert_element_type3A = arith.extui %eq3A_0 : i1 to i32
    %cond3A = arith.constant 0 : i32
    %cond3A_1 = arith.cmpi ne, %convert_element_type3A, %cond3A : i32
    scf.if %cond3A_1 {
      %broadcast_in_dim3A_716 = arith.constant 0xFF800000 : f32
      %broadcast_in_dim3A_717 = vector.broadcast %broadcast_in_dim3A_716 : f32 to vector<32x128xf32>
      %swap3A_718 = arith.constant 0 : index
      %swap3A_719 = arith.constant 0 : index
      %swap3A_720 = vector.load %arg4[%swap3A_718, %swap3A_719] : memref<32x128xf32, #tpu.memory_space<vmem>>, vector<32x128xf32>
      tpu.vector_store %arg4[%swap3A_718, %swap3A_719], %broadcast_in_dim3A_717 {strides = array<i32>} : memref<32x128xf32, #tpu.memory_space<vmem>>, vector<32x128xf32>,
      %broadcast_in_dim3A_721 = arith.constant 0 : i32
      %broadcast_in_dim3A_722 = vector.broadcast %broadcast_in_dim3A_721 : i32 to vector<32x128xi32>
      %swap3A_723 = arith.constant 0 : index
      %swap3A_724 = arith.constant 0 : index
      %swap3A_725 = vector.load %arg5[%swap3A_723, %swap3A_724] : memref<32x128xi32, #tpu.memory_space<vmem>>, vector<32x128xi32>
      tpu.vector_store %arg5[%swap3A_723, %swap3A_724], %broadcast_in_dim3A_722 {strides = array<i32>} : memref<32x128xi32, #tpu.memory_space<vmem>>, vector<32x128xi32>,
    } else {
    }
    %get3A = arith.constant 0 : index
    %get3A_2 = arith.constant 0 : index
    %get3A_3 = vector.load %arg4[%get3A, %get3A_2] : memref<32x128xf32, #tpu.memory_space<vmem>>, vector<32x128xf32>
    %get3A_4 = arith.constant 0 : index
    %get3A_5 = arith.constant 0 : index
    %get3A_6 = vector.load %arg5[%get3A_4, %get3A_5] : memref<32x128xi32, #tpu.memory_space<vmem>>, vector<32x128xi32>
    %get3A_7 = arith.constant 0 : index
    %get3A_8 = arith.constant 0 : index
    %get3A_9 = vector.load %arg2[%get3A_7, %get3A_8] : memref<32x8192xf32, #tpu.memory_space<vmem>>, vector<32x128xf32>
    %mul3A = arith.constant 64 : i32
    %mul3A_10 = arith.muli %arg1, %mul3A : i32
    %add3A = arith.constant 0 : i32
    %add3A_11 = arith.addi %mul3A_10, %add3A : i32
    %gt3A = arith.cmpf ogt, %get3A_9, %get3A_3 : vector<32x128xf32>
    %select_n3A = arith.select %gt3A, %get3A_9, %get3A_3 : vector<32x128xi1>, vector<32x128xf32>
    %broadcast_in_dim3A = vector.broadcast %add3A_11 : i32 to vector<32x128xi32>
    %select_n3A_12 = arith.select %gt3A, %broadcast_in_dim3A, %get3A_6 : vector<32x128xi1>, vector<32x128xi32>
    %get3A_13 = arith.constant 0 : index
    %get3A_14 = arith.constant 128 : index
    %get3A_15 = vector.load %arg2[%get3A_13, %get3A_14] : memref<32x8192xf32, #tpu.memory_space<vmem>>, vector<32x128xf32>
    %mul3A_16 = arith.constant 64 : i32
    %mul3A_17 = arith.muli %arg1, %mul3A_16 : i32
    %add3A_18 = arith.constant 1 : i32
    %add3A_19 = arith.addi %mul3A_17, %add3A_18 : i32
    %gt3A_20 = arith.cmpf ogt, %get3A_15, %select_n3A : vector<32x128xf32>
    %select_n3A_21 = arith.select %gt3A_20, %get3A_15, %select_n3A : vector<32x128xi1>, vector<32x128xf32>
    %broadcast_in_dim3A_22 = vector.broadcast %add3A_19 : i32 to vector<32x128xi32>
    %select_n3A_23 = arith.select %gt3A_20, %broadcast_in_dim3A_22, %select_n3A_12 : vector<32x128xi1>, vector<32x128xi32>
    %get3A_24 = arith.constant 0 : index
    %get3A_25 = arith.constant 256 : index
    %get3A_26 = vector.load %arg2[%get3A_24, %get3A_25] : memref<32x8192xf32, #tpu.memory_space<vmem>>, vector<32x128xf32>
    %mul3A_27 = arith.constant 64 : i32
    %mul3A_28 = arith.muli %arg1, %mul3A_27 : i32
    %add3A_29 = arith.constant 2 : i32
    %add3A_30 = arith.addi %mul3A_28, %add3A_29 : i32
    %gt3A_31 = arith.cmpf ogt, %get3A_26, %select_n3A_21 : vector<32x128xf32>
    %select_n3A_32 = arith.select %gt3A_31, %get3A_26, %select_n3A_21 : vector<32x128xi1>, vector<32x128xf32>
    %broadcast_in_dim3A_33 = vector.broadcast %add3A_30 : i32 to vector<32x128xi32>
    %select_n3A_34 = arith.select %gt3A_31, %broadcast_in_dim3A_33, %select_n3A_23 : vector<32x128xi1>, vector<32x128xi32>
    %get3A_35 = arith.constant 0 : index
    %get3A_36 = arith.constant 384 : index
    %get3A_37 = vector.load %arg2[%get3A_35, %get3A_36] : memref<32x8192xf32, #tpu.memory_space<vmem>>, vector<32x128xf32>
    %mul3A_38 = arith.constant 64 : i32
    %mul3A_39 = arith.muli %arg1, %mul3A_38 : i32
    %add3A_40 = arith.constant 3 : i32
    %add3A_41 = arith.addi %mul3A_39, %add3A_40 : i32
    %gt3A_42 = arith.cmpf ogt, %get3A_37, %select_n3A_32 : vector<32x128xf32>
    %select_n3A_43 = arith.select %gt3A_42, %get3A_37, %select_n3A_32 : vector<32x128xi1>, vector<32x128xf32>
    %broadcast_in_dim3A_44 = vector.broadcast %add3A_41 : i32 to vector<32x128xi32>
    %select_n3A_45 = arith.select %gt3A_42, %broadcast_in_dim3A_44, %select_n3A_34 : vector<32x128xi1>, vector<32x128xi32>
    %get3A_46 = arith.constant 0 : index
    %get3A_47 = arith.constant 512 : index
    %get3A_48 = vector.load %arg2[%get3A_46, %get3A_47] : memref<32x8192xf32, #tpu.memory_space<vmem>>, vector<32x128xf32>
    %mul3A_49 = arith.constant 64 : i32
    %mul3A_50 = arith.muli %arg1, %mul3A_49 : i32
    %add3A_51 = arith.constant 4 : i32
    %add3A_52 = arith.addi %mul3A_50, %add3A_51 : i32
    %gt3A_53 = arith.cmpf ogt, %get3A_48, %select_n3A_43 : vector<32x128xf32>
    %select_n3A_54 = arith.select %gt3A_53, %get3A_48, %select_n3A_43 : vector<32x128xi1>, vector<32x128xf32>
    %broadcast_in_dim3A_55 = vector.broadcast %add3A_52 : i32 to vector<32x128xi32>
    %select_n3A_56 = arith.select %gt3A_53, %broadcast_in_dim3A_55, %select_n3A_45 : vector<32x128xi1>, vector<32x128xi32>
    %get3A_57 = arith.constant 0 : index
    %get3A_58 = arith.constant 640 : index
    %get3A_59 = vector.load %arg2[%get3A_57, %get3A_58] : memref<32x8192xf32, #tpu.memory_space<vmem>>, vector<32x128xf32>
    %mul3A_60 = arith.constant 64 : i32
    %mul3A_61 = arith.muli %arg1, %mul3A_60 : i32
    %add3A_62 = arith.constant 5 : i32
    %add3A_63 = arith.addi %mul3A_61, %add3A_62 : i32
    %gt3A_64 = arith.cmpf ogt, %get3A_59, %select_n3A_54 : vector<32x128xf32>
    %select_n3A_65 = arith.select %gt3A_64, %get3A_59, %select_n3A_54 : vector<32x128xi1>, vector<32x128xf32>
    %broadcast_in_dim3A_66 = vector.broadcast %add3A_63 : i32 to vector<32x128xi32>
    %select_n3A_67 = arith.select %gt3A_64, %broadcast_in_dim3A_66, %select_n3A_56 : vector<32x128xi1>, vector<32x128xi32>
    %get3A_68 = arith.constant 0 : index
    %get3A_69 = arith.constant 768 : index
    %get3A_70 = vector.load %arg2[%get3A_68, %get3A_69] : memref<32x8192xf32, #tpu.memory_space<vmem>>, vector<32x128xf32>
    %mul3A_71 = arith.constant 64 : i32
    %mul3A_72 = arith.muli %arg1, %mul3A_71 : i32
    %add3A_73 = arith.constant 6 : i32
    %add3A_74 = arith.addi %mul3A_72, %add3A_73 : i32
    %gt3A_75 = arith.cmpf ogt, %get3A_70, %select_n3A_65 : vector<32x128xf32>
    %select_n3A_76 = arith.select %gt3A_75, %get3A_70, %select_n3A_65 : vector<32x128xi1>, vector<32x128xf32>
    %broadcast_in_dim3A_77 = vector.broadcast %add3A_74 : i32 to vector<32x128xi32>
    %select_n3A_78 = arith.select %gt3A_75, %broadcast_in_dim3A_77, %select_n3A_67 : vector<32x128xi1>, vector<32x128xi32>
    %get3A_79 = arith.constant 0 : index
    %get3A_80 = arith.constant 896 : index
    %get3A_81 = vector.load %arg2[%get3A_79, %get3A_80] : memref<32x8192xf32, #tpu.memory_space<vmem>>, vector<32x128xf32>
    %mul3A_82 = arith.constant 64 : i32
    %mul3A_83 = arith.muli %arg1, %mul3A_82 : i32
    %add3A_84 = arith.constant 7 : i32
    %add3A_85 = arith.addi %mul3A_83, %add3A_84 : i32
    %gt3A_86 = arith.cmpf ogt, %get3A_81, %select_n3A_76 : vector<32x128xf32>
    %select_n3A_87 = arith.select %gt3A_86, %get3A_81, %select_n3A_76 : vector<32x128xi1>, vector<32x128xf32>
    %broadcast_in_dim3A_88 = vector.broadcast %add3A_85 : i32 to vector<32x128xi32>
    %select_n3A_89 = arith.select %gt3A_86, %broadcast_in_dim3A_88, %select_n3A_78 : vector<32x128xi1>, vector<32x128xi32>
    %get3A_90 = arith.constant 0 : index
    %get3A_91 = arith.constant 1024 : index
    %get3A_92 = vector.load %arg2[%get3A_90, %get3A_91] : memref<32x8192xf32, #tpu.memory_space<vmem>>, vector<32x128xf32>
    %mul3A_93 = arith.constant 64 : i32
    %mul3A_94 = arith.muli %arg1, %mul3A_93 : i32
    %add3A_95 = arith.constant 8 : i32
    %add3A_96 = arith.addi %mul3A_94, %add3A_95 : i32
    %gt3A_97 = arith.cmpf ogt, %get3A_92, %select_n3A_87 : vector<32x128xf32>
    %select_n3A_98 = arith.select %gt3A_97, %get3A_92, %select_n3A_87 : vector<32x128xi1>, vector<32x128xf32>
    %broadcast_in_dim3A_99 = vector.broadcast %add3A_96 : i32 to vector<32x128xi32>
    %select_n3A_100 = arith.select %gt3A_97, %broadcast_in_dim3A_99, %select_n3A_89 : vector<32x128xi1>, vector<32x128xi32>
    %get3A_101 = arith.constant 0 : index
    %get3A_102 = arith.constant 1152 : index
    %get3A_103 = vector.load %arg2[%get3A_101, %get3A_102] : memref<32x8192xf32, #tpu.memory_space<vmem>>, vector<32x128xf32>
    %mul3A_104 = arith.constant 64 : i32
    %mul3A_105 = arith.muli %arg1, %mul3A_104 : i32
    %add3A_106 = arith.constant 9 : i32
    %add3A_107 = arith.addi %mul3A_105, %add3A_106 : i32
    %gt3A_108 = arith.cmpf ogt, %get3A_103, %select_n3A_98 : vector<32x128xf32>
    %select_n3A_109 = arith.select %gt3A_108, %get3A_103, %select_n3A_98 : vector<32x128xi1>, vector<32x128xf32>
    %broadcast_in_dim3A_110 = vector.broadcast %add3A_107 : i32 to vector<32x128xi32>
    %select_n3A_111 = arith.select %gt3A_108, %broadcast_in_dim3A_110, %select_n3A_100 : vector<32x128xi1>, vector<32x128xi32>
    %get3A_112 = arith.constant 0 : index
    %get3A_113 = arith.constant 1280 : index
    %get3A_114 = vector.load %arg2[%get3A_112, %get3A_113] : memref<32x8192xf32, #tpu.memory_space<vmem>>, vector<32x128xf32>
    %mul3A_115 = arith.constant 64 : i32
    %mul3A_116 = arith.muli %arg1, %mul3A_115 : i32
    %add3A_117 = arith.constant 10 : i32
    %add3A_118 = arith.addi %mul3A_116, %add3A_117 : i32
    %gt3A_119 = arith.cmpf ogt, %get3A_114, %select_n3A_109 : vector<32x128xf32>
    %select_n3A_120 = arith.select %gt3A_119, %get3A_114, %select_n3A_109 : vector<32x128xi1>, vector<32x128xf32>
    %broadcast_in_dim3A_121 = vector.broadcast %add3A_118 : i32 to vector<32x128xi32>
    %select_n3A_122 = arith.select %gt3A_119, %broadcast_in_dim3A_121, %select_n3A_111 : vector<32x128xi1>, vector<32x128xi32>
    %get3A_123 = arith.constant 0 : index
    %get3A_124 = arith.constant 1408 : index
    %get3A_125 = vector.load %arg2[%get3A_123, %get3A_124] : memref<32x8192xf32, #tpu.memory_space<vmem>>, vector<32x128xf32>
    %mul3A_126 = arith.constant 64 : i32
    %mul3A_127 = arith.muli %arg1, %mul3A_126 : i32
    %add3A_128 = arith.constant 11 : i32
    %add3A_129 = arith.addi %mul3A_127, %add3A_128 : i32
    %gt3A_130 = arith.cmpf ogt, %get3A_125, %select_n3A_120 : vector<32x128xf32>
    %select_n3A_131 = arith.select %gt3A_130, %get3A_125, %select_n3A_120 : vector<32x128xi1>, vector<32x128xf32>
    %broadcast_in_dim3A_132 = vector.broadcast %add3A_129 : i32 to vector<32x128xi32>
    %select_n3A_133 = arith.select %gt3A_130, %broadcast_in_dim3A_132, %select_n3A_122 : vector<32x128xi1>, vector<32x128xi32>
    %get3A_134 = arith.constant 0 : index
    %get3A_135 = arith.constant 1536 : index
    %get3A_136 = vector.load %arg2[%get3A_134, %get3A_135] : memref<32x8192xf32, #tpu.memory_space<vmem>>, vector<32x128xf32>
    %mul3A_137 = arith.constant 64 : i32
    %mul3A_138 = arith.muli %arg1, %mul3A_137 : i32
    %add3A_139 = arith.constant 12 : i32
    %add3A_140 = arith.addi %mul3A_138, %add3A_139 : i32
    %gt3A_141 = arith.cmpf ogt, %get3A_136, %select_n3A_131 : vector<32x128xf32>
    %select_n3A_142 = arith.select %gt3A_141, %get3A_136, %select_n3A_131 : vector<32x128xi1>, vector<32x128xf32>
    %broadcast_in_dim3A_143 = vector.broadcast %add3A_140 : i32 to vector<32x128xi32>
    %select_n3A_144 = arith.select %gt3A_141, %broadcast_in_dim3A_143, %select_n3A_133 : vector<32x128xi1>, vector<32x128xi32>
    %get3A_145 = arith.constant 0 : index
    %get3A_146 = arith.constant 1664 : index
    %get3A_147 = vector.load %arg2[%get3A_145, %get3A_146] : memref<32x8192xf32, #tpu.memory_space<vmem>>, vector<32x128xf32>
    %mul3A_148 = arith.constant 64 : i32
    %mul3A_149 = arith.muli %arg1, %mul3A_148 : i32
    %add3A_150 = arith.constant 13 : i32
    %add3A_151 = arith.addi %mul3A_149, %add3A_150 : i32
    %gt3A_152 = arith.cmpf ogt, %get3A_147, %select_n3A_142 : vector<32x128xf32>
    %select_n3A_153 = arith.select %gt3A_152, %get3A_147, %select_n3A_142 : vector<32x128xi1>, vector<32x128xf32>
    %broadcast_in_dim3A_154 = vector.broadcast %add3A_151 : i32 to vector<32x128xi32>
    %select_n3A_155 = arith.select %gt3A_152, %broadcast_in_dim3A_154, %select_n3A_144 : vector<32x128xi1>, vector<32x128xi32>
    %get3A_156 = arith.constant 0 : index
    %get3A_157 = arith.constant 1792 : index
    %get3A_158 = vector.load %arg2[%get3A_156, %get3A_157] : memref<32x8192xf32, #tpu.memory_space<vmem>>, vector<32x128xf32>
    %mul3A_159 = arith.constant 64 : i32
    %mul3A_160 = arith.muli %arg1, %mul3A_159 : i32
    %add3A_161 = arith.constant 14 : i32
    %add3A_162 = arith.addi %mul3A_160, %add3A_161 : i32
    %gt3A_163 = arith.cmpf ogt, %get3A_158, %select_n3A_153 : vector<32x128xf32>
    %select_n3A_164 = arith.select %gt3A_163, %get3A_158, %select_n3A_153 : vector<32x128xi1>, vector<32x128xf32>
    %broadcast_in_dim3A_165 = vector.broadcast %add3A_162 : i32 to vector<32x128xi32>
    %select_n3A_166 = arith.select %gt3A_163, %broadcast_in_dim3A_165, %select_n3A_155 : vector<32x128xi1>, vector<32x128xi32>
    %get3A_167 = arith.constant 0 : index
    %get3A_168 = arith.constant 1920 : index
    %get3A_169 = vector.load %arg2[%get3A_167, %get3A_168] : memref<32x8192xf32, #tpu.memory_space<vmem>>, vector<32x128xf32>
    %mul3A_170 = arith.constant 64 : i32
    %mul3A_171 = arith.muli %arg1, %mul3A_170 : i32
    %add3A_172 = arith.constant 15 : i32
    %add3A_173 = arith.addi %mul3A_171, %add3A_172 : i32
    %gt3A_174 = arith.cmpf ogt, %get3A_169, %select_n3A_164 : vector<32x128xf32>
    %select_n3A_175 = arith.select %gt3A_174, %get3A_169, %select_n3A_164 : vector<32x128xi1>, vector<32x128xf32>
    %broadcast_in_dim3A_176 = vector.broadcast %add3A_173 : i32 to vector<32x128xi32>
    %select_n3A_177 = arith.select %gt3A_174, %broadcast_in_dim3A_176, %select_n3A_166 : vector<32x128xi1>, vector<32x128xi32>
    %get3A_178 = arith.constant 0 : index
    %get3A_179 = arith.constant 2048 : index
    %get3A_180 = vector.load %arg2[%get3A_178, %get3A_179] : memref<32x8192xf32, #tpu.memory_space<vmem>>, vector<32x128xf32>
    %mul3A_181 = arith.constant 64 : i32
    %mul3A_182 = arith.muli %arg1, %mul3A_181 : i32
    %add3A_183 = arith.constant 16 : i32
    %add3A_184 = arith.addi %mul3A_182, %add3A_183 : i32
    %gt3A_185 = arith.cmpf ogt, %get3A_180, %select_n3A_175 : vector<32x128xf32>
    %select_n3A_186 = arith.select %gt3A_185, %get3A_180, %select_n3A_175 : vector<32x128xi1>, vector<32x128xf32>
    %broadcast_in_dim3A_187 = vector.broadcast %add3A_184 : i32 to vector<32x128xi32>
    %select_n3A_188 = arith.select %gt3A_185, %broadcast_in_dim3A_187, %select_n3A_177 : vector<32x128xi1>, vector<32x128xi32>
    %get3A_189 = arith.constant 0 : index
    %get3A_190 = arith.constant 2176 : index
    %get3A_191 = vector.load %arg2[%get3A_189, %get3A_190] : memref<32x8192xf32, #tpu.memory_space<vmem>>, vector<32x128xf32>
    %mul3A_192 = arith.constant 64 : i32
    %mul3A_193 = arith.muli %arg1, %mul3A_192 : i32
    %add3A_194 = arith.constant 17 : i32
    %add3A_195 = arith.addi %mul3A_193, %add3A_194 : i32
    %gt3A_196 = arith.cmpf ogt, %get3A_191, %select_n3A_186 : vector<32x128xf32>
    %select_n3A_197 = arith.select %gt3A_196, %get3A_191, %select_n3A_186 : vector<32x128xi1>, vector<32x128xf32>
    %broadcast_in_dim3A_198 = vector.broadcast %add3A_195 : i32 to vector<32x128xi32>
    %select_n3A_199 = arith.select %gt3A_196, %broadcast_in_dim3A_198, %select_n3A_188 : vector<32x128xi1>, vector<32x128xi32>
    %get3A_200 = arith.constant 0 : index
    %get3A_201 = arith.constant 2304 : index
    %get3A_202 = vector.load %arg2[%get3A_200, %get3A_201] : memref<32x8192xf32, #tpu.memory_space<vmem>>, vector<32x128xf32>
    %mul3A_203 = arith.constant 64 : i32
    %mul3A_204 = arith.muli %arg1, %mul3A_203 : i32
    %add3A_205 = arith.constant 18 : i32
    %add3A_206 = arith.addi %mul3A_204, %add3A_205 : i32
    %gt3A_207 = arith.cmpf ogt, %get3A_202, %select_n3A_197 : vector<32x128xf32>
    %select_n3A_208 = arith.select %gt3A_207, %get3A_202, %select_n3A_197 : vector<32x128xi1>, vector<32x128xf32>
    %broadcast_in_dim3A_209 = vector.broadcast %add3A_206 : i32 to vector<32x128xi32>
    %select_n3A_210 = arith.select %gt3A_207, %broadcast_in_dim3A_209, %select_n3A_199 : vector<32x128xi1>, vector<32x128xi32>
    %get3A_211 = arith.constant 0 : index
    %get3A_212 = arith.constant 2432 : index
    %get3A_213 = vector.load %arg2[%get3A_211, %get3A_212] : memref<32x8192xf32, #tpu.memory_space<vmem>>, vector<32x128xf32>
    %mul3A_214 = arith.constant 64 : i32
    %mul3A_215 = arith.muli %arg1, %mul3A_214 : i32
    %add3A_216 = arith.constant 19 : i32
    %add3A_217 = arith.addi %mul3A_215, %add3A_216 : i32
    %gt3A_218 = arith.cmpf ogt, %get3A_213, %select_n3A_208 : vector<32x128xf32>
    %select_n3A_219 = arith.select %gt3A_218, %get3A_213, %select_n3A_208 : vector<32x128xi1>, vector<32x128xf32>
    %broadcast_in_dim3A_220 = vector.broadcast %add3A_217 : i32 to vector<32x128xi32>
    %select_n3A_221 = arith.select %gt3A_218, %broadcast_in_dim3A_220, %select_n3A_210 : vector<32x128xi1>, vector<32x128xi32>
    %get3A_222 = arith.constant 0 : index
    %get3A_223 = arith.constant 2560 : index
    %get3A_224 = vector.load %arg2[%get3A_222, %get3A_223] : memref<32x8192xf32, #tpu.memory_space<vmem>>, vector<32x128xf32>
    %mul3A_225 = arith.constant 64 : i32
    %mul3A_226 = arith.muli %arg1, %mul3A_225 : i32
    %add3A_227 = arith.constant 20 : i32
    %add3A_228 = arith.addi %mul3A_226, %add3A_227 : i32
    %gt3A_229 = arith.cmpf ogt, %get3A_224, %select_n3A_219 : vector<32x128xf32>
    %select_n3A_230 = arith.select %gt3A_229, %get3A_224, %select_n3A_219 : vector<32x128xi1>, vector<32x128xf32>
    %broadcast_in_dim3A_231 = vector.broadcast %add3A_228 : i32 to vector<32x128xi32>
    %select_n3A_232 = arith.select %gt3A_229, %broadcast_in_dim3A_231, %select_n3A_221 : vector<32x128xi1>, vector<32x128xi32>
    %get3A_233 = arith.constant 0 : index
    %get3A_234 = arith.constant 2688 : index
    %get3A_235 = vector.load %arg2[%get3A_233, %get3A_234] : memref<32x8192xf32, #tpu.memory_space<vmem>>, vector<32x128xf32>
    %mul3A_236 = arith.constant 64 : i32
    %mul3A_237 = arith.muli %arg1, %mul3A_236 : i32
    %add3A_238 = arith.constant 21 : i32
    %add3A_239 = arith.addi %mul3A_237, %add3A_238 : i32
    %gt3A_240 = arith.cmpf ogt, %get3A_235, %select_n3A_230 : vector<32x128xf32>
    %select_n3A_241 = arith.select %gt3A_240, %get3A_235, %select_n3A_230 : vector<32x128xi1>, vector<32x128xf32>
    %broadcast_in_dim3A_242 = vector.broadcast %add3A_239 : i32 to vector<32x128xi32>
    %select_n3A_243 = arith.select %gt3A_240, %broadcast_in_dim3A_242, %select_n3A_232 : vector<32x128xi1>, vector<32x128xi32>
    %get3A_244 = arith.constant 0 : index
    %get3A_245 = arith.constant 2816 : index
    %get3A_246 = vector.load %arg2[%get3A_244, %get3A_245] : memref<32x8192xf32, #tpu.memory_space<vmem>>, vector<32x128xf32>
    %mul3A_247 = arith.constant 64 : i32
    %mul3A_248 = arith.muli %arg1, %mul3A_247 : i32
    %add3A_249 = arith.constant 22 : i32
    %add3A_250 = arith.addi %mul3A_248, %add3A_249 : i32
    %gt3A_251 = arith.cmpf ogt, %get3A_246, %select_n3A_241 : vector<32x128xf32>
    %select_n3A_252 = arith.select %gt3A_251, %get3A_246, %select_n3A_241 : vector<32x128xi1>, vector<32x128xf32>
    %broadcast_in_dim3A_253 = vector.broadcast %add3A_250 : i32 to vector<32x128xi32>
    %select_n3A_254 = arith.select %gt3A_251, %broadcast_in_dim3A_253, %select_n3A_243 : vector<32x128xi1>, vector<32x128xi32>
    %get3A_255 = arith.constant 0 : index
    %get3A_256 = arith.constant 2944 : index
    %get3A_257 = vector.load %arg2[%get3A_255, %get3A_256] : memref<32x8192xf32, #tpu.memory_space<vmem>>, vector<32x128xf32>
    %mul3A_258 = arith.constant 64 : i32
    %mul3A_259 = arith.muli %arg1, %mul3A_258 : i32
    %add3A_260 = arith.constant 23 : i32
    %add3A_261 = arith.addi %mul3A_259, %add3A_260 : i32
    %gt3A_262 = arith.cmpf ogt, %get3A_257, %select_n3A_252 : vector<32x128xf32>
    %select_n3A_263 = arith.select %gt3A_262, %get3A_257, %select_n3A_252 : vector<32x128xi1>, vector<32x128xf32>
    %broadcast_in_dim3A_264 = vector.broadcast %add3A_261 : i32 to vector<32x128xi32>
    %select_n3A_265 = arith.select %gt3A_262, %broadcast_in_dim3A_264, %select_n3A_254 : vector<32x128xi1>, vector<32x128xi32>
    %get3A_266 = arith.constant 0 : index
    %get3A_267 = arith.constant 3072 : index
    %get3A_268 = vector.load %arg2[%get3A_266, %get3A_267] : memref<32x8192xf32, #tpu.memory_space<vmem>>, vector<32x128xf32>
    %mul3A_269 = arith.constant 64 : i32
    %mul3A_270 = arith.muli %arg1, %mul3A_269 : i32
    %add3A_271 = arith.constant 24 : i32
    %add3A_272 = arith.addi %mul3A_270, %add3A_271 : i32
    %gt3A_273 = arith.cmpf ogt, %get3A_268, %select_n3A_263 : vector<32x128xf32>
    %select_n3A_274 = arith.select %gt3A_273, %get3A_268, %select_n3A_263 : vector<32x128xi1>, vector<32x128xf32>
    %broadcast_in_dim3A_275 = vector.broadcast %add3A_272 : i32 to vector<32x128xi32>
    %select_n3A_276 = arith.select %gt3A_273, %broadcast_in_dim3A_275, %select_n3A_265 : vector<32x128xi1>, vector<32x128xi32>
    %get3A_277 = arith.constant 0 : index
    %get3A_278 = arith.constant 3200 : index
    %get3A_279 = vector.load %arg2[%get3A_277, %get3A_278] : memref<32x8192xf32, #tpu.memory_space<vmem>>, vector<32x128xf32>
    %mul3A_280 = arith.constant 64 : i32
    %mul3A_281 = arith.muli %arg1, %mul3A_280 : i32
    %add3A_282 = arith.constant 25 : i32
    %add3A_283 = arith.addi %mul3A_281, %add3A_282 : i32
    %gt3A_284 = arith.cmpf ogt, %get3A_279, %select_n3A_274 : vector<32x128xf32>
    %select_n3A_285 = arith.select %gt3A_284, %get3A_279, %select_n3A_274 : vector<32x128xi1>, vector<32x128xf32>
    %broadcast_in_dim3A_286 = vector.broadcast %add3A_283 : i32 to vector<32x128xi32>
    %select_n3A_287 = arith.select %gt3A_284, %broadcast_in_dim3A_286, %select_n3A_276 : vector<32x128xi1>, vector<32x128xi32>
    %get3A_288 = arith.constant 0 : index
    %get3A_289 = arith.constant 3328 : index
    %get3A_290 = vector.load %arg2[%get3A_288, %get3A_289] : memref<32x8192xf32, #tpu.memory_space<vmem>>, vector<32x128xf32>
    %mul3A_291 = arith.constant 64 : i32
    %mul3A_292 = arith.muli %arg1, %mul3A_291 : i32
    %add3A_293 = arith.constant 26 : i32
    %add3A_294 = arith.addi %mul3A_292, %add3A_293 : i32
    %gt3A_295 = arith.cmpf ogt, %get3A_290, %select_n3A_285 : vector<32x128xf32>
    %select_n3A_296 = arith.select %gt3A_295, %get3A_290, %select_n3A_285 : vector<32x128xi1>, vector<32x128xf32>
    %broadcast_in_dim3A_297 = vector.broadcast %add3A_294 : i32 to vector<32x128xi32>
    %select_n3A_298 = arith.select %gt3A_295, %broadcast_in_dim3A_297, %select_n3A_287 : vector<32x128xi1>, vector<32x128xi32>
    %get3A_299 = arith.constant 0 : index
    %get3A_300 = arith.constant 3456 : index
    %get3A_301 = vector.load %arg2[%get3A_299, %get3A_300] : memref<32x8192xf32, #tpu.memory_space<vmem>>, vector<32x128xf32>
    %mul3A_302 = arith.constant 64 : i32
    %mul3A_303 = arith.muli %arg1, %mul3A_302 : i32
    %add3A_304 = arith.constant 27 : i32
    %add3A_305 = arith.addi %mul3A_303, %add3A_304 : i32
    %gt3A_306 = arith.cmpf ogt, %get3A_301, %select_n3A_296 : vector<32x128xf32>
    %select_n3A_307 = arith.select %gt3A_306, %get3A_301, %select_n3A_296 : vector<32x128xi1>, vector<32x128xf32>
    %broadcast_in_dim3A_308 = vector.broadcast %add3A_305 : i32 to vector<32x128xi32>
    %select_n3A_309 = arith.select %gt3A_306, %broadcast_in_dim3A_308, %select_n3A_298 : vector<32x128xi1>, vector<32x128xi32>
    %get3A_310 = arith.constant 0 : index
    %get3A_311 = arith.constant 3584 : index
    %get3A_312 = vector.load %arg2[%get3A_310, %get3A_311] : memref<32x8192xf32, #tpu.memory_space<vmem>>, vector<32x128xf32>
    %mul3A_313 = arith.constant 64 : i32
    %mul3A_314 = arith.muli %arg1, %mul3A_313 : i32
    %add3A_315 = arith.constant 28 : i32
    %add3A_316 = arith.addi %mul3A_314, %add3A_315 : i32
    %gt3A_317 = arith.cmpf ogt, %get3A_312, %select_n3A_307 : vector<32x128xf32>
    %select_n3A_318 = arith.select %gt3A_317, %get3A_312, %select_n3A_307 : vector<32x128xi1>, vector<32x128xf32>
    %broadcast_in_dim3A_319 = vector.broadcast %add3A_316 : i32 to vector<32x128xi32>
    %select_n3A_320 = arith.select %gt3A_317, %broadcast_in_dim3A_319, %select_n3A_309 : vector<32x128xi1>, vector<32x128xi32>
    %get3A_321 = arith.constant 0 : index
    %get3A_322 = arith.constant 3712 : index
    %get3A_323 = vector.load %arg2[%get3A_321, %get3A_322] : memref<32x8192xf32, #tpu.memory_space<vmem>>, vector<32x128xf32>
    %mul3A_324 = arith.constant 64 : i32
    %mul3A_325 = arith.muli %arg1, %mul3A_324 : i32
    %add3A_326 = arith.constant 29 : i32
    %add3A_327 = arith.addi %mul3A_325, %add3A_326 : i32
    %gt3A_328 = arith.cmpf ogt, %get3A_323, %select_n3A_318 : vector<32x128xf32>
    %select_n3A_329 = arith.select %gt3A_328, %get3A_323, %select_n3A_318 : vector<32x128xi1>, vector<32x128xf32>
    %broadcast_in_dim3A_330 = vector.broadcast %add3A_327 : i32 to vector<32x128xi32>
    %select_n3A_331 = arith.select %gt3A_328, %broadcast_in_dim3A_330, %select_n3A_320 : vector<32x128xi1>, vector<32x128xi32>
    %get3A_332 = arith.constant 0 : index
    %get3A_333 = arith.constant 3840 : index
    %get3A_334 = vector.load %arg2[%get3A_332, %get3A_333] : memref<32x8192xf32, #tpu.memory_space<vmem>>, vector<32x128xf32>
    %mul3A_335 = arith.constant 64 : i32
    %mul3A_336 = arith.muli %arg1, %mul3A_335 : i32
    %add3A_337 = arith.constant 30 : i32
    %add3A_338 = arith.addi %mul3A_336, %add3A_337 : i32
    %gt3A_339 = arith.cmpf ogt, %get3A_334, %select_n3A_329 : vector<32x128xf32>
    %select_n3A_340 = arith.select %gt3A_339, %get3A_334, %select_n3A_329 : vector<32x128xi1>, vector<32x128xf32>
    %broadcast_in_dim3A_341 = vector.broadcast %add3A_338 : i32 to vector<32x128xi32>
    %select_n3A_342 = arith.select %gt3A_339, %broadcast_in_dim3A_341, %select_n3A_331 : vector<32x128xi1>, vector<32x128xi32>
    %get3A_343 = arith.constant 0 : index
    %get3A_344 = arith.constant 3968 : index
    %get3A_345 = vector.load %arg2[%get3A_343, %get3A_344] : memref<32x8192xf32, #tpu.memory_space<vmem>>, vector<32x128xf32>
    %mul3A_346 = arith.constant 64 : i32
    %mul3A_347 = arith.muli %arg1, %mul3A_346 : i32
    %add3A_348 = arith.constant 31 : i32
    %add3A_349 = arith.addi %mul3A_347, %add3A_348 : i32
    %gt3A_350 = arith.cmpf ogt, %get3A_345, %select_n3A_340 : vector<32x128xf32>
    %select_n3A_351 = arith.select %gt3A_350, %get3A_345, %select_n3A_340 : vector<32x128xi1>, vector<32x128xf32>
    %broadcast_in_dim3A_352 = vector.broadcast %add3A_349 : i32 to vector<32x128xi32>
    %select_n3A_353 = arith.select %gt3A_350, %broadcast_in_dim3A_352, %select_n3A_342 : vector<32x128xi1>, vector<32x128xi32>
    %get3A_354 = arith.constant 0 : index
    %get3A_355 = arith.constant 4096 : index
    %get3A_356 = vector.load %arg2[%get3A_354, %get3A_355] : memref<32x8192xf32, #tpu.memory_space<vmem>>, vector<32x128xf32>
    %mul3A_357 = arith.constant 64 : i32
    %mul3A_358 = arith.muli %arg1, %mul3A_357 : i32
    %add3A_359 = arith.constant 32 : i32
    %add3A_360 = arith.addi %mul3A_358, %add3A_359 : i32
    %gt3A_361 = arith.cmpf ogt, %get3A_356, %select_n3A_351 : vector<32x128xf32>
    %select_n3A_362 = arith.select %gt3A_361, %get3A_356, %select_n3A_351 : vector<32x128xi1>, vector<32x128xf32>
    %broadcast_in_dim3A_363 = vector.broadcast %add3A_360 : i32 to vector<32x128xi32>
    %select_n3A_364 = arith.select %gt3A_361, %broadcast_in_dim3A_363, %select_n3A_353 : vector<32x128xi1>, vector<32x128xi32>
    %get3A_365 = arith.constant 0 : index
    %get3A_366 = arith.constant 4224 : index
    %get3A_367 = vector.load %arg2[%get3A_365, %get3A_366] : memref<32x8192xf32, #tpu.memory_space<vmem>>, vector<32x128xf32>
    %mul3A_368 = arith.constant 64 : i32
    %mul3A_369 = arith.muli %arg1, %mul3A_368 : i32
    %add3A_370 = arith.constant 33 : i32
    %add3A_371 = arith.addi %mul3A_369, %add3A_370 : i32
    %gt3A_372 = arith.cmpf ogt, %get3A_367, %select_n3A_362 : vector<32x128xf32>
    %select_n3A_373 = arith.select %gt3A_372, %get3A_367, %select_n3A_362 : vector<32x128xi1>, vector<32x128xf32>
    %broadcast_in_dim3A_374 = vector.broadcast %add3A_371 : i32 to vector<32x128xi32>
    %select_n3A_375 = arith.select %gt3A_372, %broadcast_in_dim3A_374, %select_n3A_364 : vector<32x128xi1>, vector<32x128xi32>
    %get3A_376 = arith.constant 0 : index
    %get3A_377 = arith.constant 4352 : index
    %get3A_378 = vector.load %arg2[%get3A_376, %get3A_377] : memref<32x8192xf32, #tpu.memory_space<vmem>>, vector<32x128xf32>
    %mul3A_379 = arith.constant 64 : i32
    %mul3A_380 = arith.muli %arg1, %mul3A_379 : i32
    %add3A_381 = arith.constant 34 : i32
    %add3A_382 = arith.addi %mul3A_380, %add3A_381 : i32
    %gt3A_383 = arith.cmpf ogt, %get3A_378, %select_n3A_373 : vector<32x128xf32>
    %select_n3A_384 = arith.select %gt3A_383, %get3A_378, %select_n3A_373 : vector<32x128xi1>, vector<32x128xf32>
    %broadcast_in_dim3A_385 = vector.broadcast %add3A_382 : i32 to vector<32x128xi32>
    %select_n3A_386 = arith.select %gt3A_383, %broadcast_in_dim3A_385, %select_n3A_375 : vector<32x128xi1>, vector<32x128xi32>
    %get3A_387 = arith.constant 0 : index
    %get3A_388 = arith.constant 4480 : index
    %get3A_389 = vector.load %arg2[%get3A_387, %get3A_388] : memref<32x8192xf32, #tpu.memory_space<vmem>>, vector<32x128xf32>
    %mul3A_390 = arith.constant 64 : i32
    %mul3A_391 = arith.muli %arg1, %mul3A_390 : i32
    %add3A_392 = arith.constant 35 : i32
    %add3A_393 = arith.addi %mul3A_391, %add3A_392 : i32
    %gt3A_394 = arith.cmpf ogt, %get3A_389, %select_n3A_384 : vector<32x128xf32>
    %select_n3A_395 = arith.select %gt3A_394, %get3A_389, %select_n3A_384 : vector<32x128xi1>, vector<32x128xf32>
    %broadcast_in_dim3A_396 = vector.broadcast %add3A_393 : i32 to vector<32x128xi32>
    %select_n3A_397 = arith.select %gt3A_394, %broadcast_in_dim3A_396, %select_n3A_386 : vector<32x128xi1>, vector<32x128xi32>
    %get3A_398 = arith.constant 0 : index
    %get3A_399 = arith.constant 4608 : index
    %get3A_400 = vector.load %arg2[%get3A_398, %get3A_399] : memref<32x8192xf32, #tpu.memory_space<vmem>>, vector<32x128xf32>
    %mul3A_401 = arith.constant 64 : i32
    %mul3A_402 = arith.muli %arg1, %mul3A_401 : i32
    %add3A_403 = arith.constant 36 : i32
    %add3A_404 = arith.addi %mul3A_402, %add3A_403 : i32
    %gt3A_405 = arith.cmpf ogt, %get3A_400, %select_n3A_395 : vector<32x128xf32>
    %select_n3A_406 = arith.select %gt3A_405, %get3A_400, %select_n3A_395 : vector<32x128xi1>, vector<32x128xf32>
    %broadcast_in_dim3A_407 = vector.broadcast %add3A_404 : i32 to vector<32x128xi32>
    %select_n3A_408 = arith.select %gt3A_405, %broadcast_in_dim3A_407, %select_n3A_397 : vector<32x128xi1>, vector<32x128xi32>
    %get3A_409 = arith.constant 0 : index
    %get3A_410 = arith.constant 4736 : index
    %get3A_411 = vector.load %arg2[%get3A_409, %get3A_410] : memref<32x8192xf32, #tpu.memory_space<vmem>>, vector<32x128xf32>
    %mul3A_412 = arith.constant 64 : i32
    %mul3A_413 = arith.muli %arg1, %mul3A_412 : i32
    %add3A_414 = arith.constant 37 : i32
    %add3A_415 = arith.addi %mul3A_413, %add3A_414 : i32
    %gt3A_416 = arith.cmpf ogt, %get3A_411, %select_n3A_406 : vector<32x128xf32>
    %select_n3A_417 = arith.select %gt3A_416, %get3A_411, %select_n3A_406 : vector<32x128xi1>, vector<32x128xf32>
    %broadcast_in_dim3A_418 = vector.broadcast %add3A_415 : i32 to vector<32x128xi32>
    %select_n3A_419 = arith.select %gt3A_416, %broadcast_in_dim3A_418, %select_n3A_408 : vector<32x128xi1>, vector<32x128xi32>
    %get3A_420 = arith.constant 0 : index
    %get3A_421 = arith.constant 4864 : index
    %get3A_422 = vector.load %arg2[%get3A_420, %get3A_421] : memref<32x8192xf32, #tpu.memory_space<vmem>>, vector<32x128xf32>
    %mul3A_423 = arith.constant 64 : i32
    %mul3A_424 = arith.muli %arg1, %mul3A_423 : i32
    %add3A_425 = arith.constant 38 : i32
    %add3A_426 = arith.addi %mul3A_424, %add3A_425 : i32
    %gt3A_427 = arith.cmpf ogt, %get3A_422, %select_n3A_417 : vector<32x128xf32>
    %select_n3A_428 = arith.select %gt3A_427, %get3A_422, %select_n3A_417 : vector<32x128xi1>, vector<32x128xf32>
    %broadcast_in_dim3A_429 = vector.broadcast %add3A_426 : i32 to vector<32x128xi32>
    %select_n3A_430 = arith.select %gt3A_427, %broadcast_in_dim3A_429, %select_n3A_419 : vector<32x128xi1>, vector<32x128xi32>
    %get3A_431 = arith.constant 0 : index
    %get3A_432 = arith.constant 4992 : index
    %get3A_433 = vector.load %arg2[%get3A_431, %get3A_432] : memref<32x8192xf32, #tpu.memory_space<vmem>>, vector<32x128xf32>
    %mul3A_434 = arith.constant 64 : i32
    %mul3A_435 = arith.muli %arg1, %mul3A_434 : i32
    %add3A_436 = arith.constant 39 : i32
    %add3A_437 = arith.addi %mul3A_435, %add3A_436 : i32
    %gt3A_438 = arith.cmpf ogt, %get3A_433, %select_n3A_428 : vector<32x128xf32>
    %select_n3A_439 = arith.select %gt3A_438, %get3A_433, %select_n3A_428 : vector<32x128xi1>, vector<32x128xf32>
    %broadcast_in_dim3A_440 = vector.broadcast %add3A_437 : i32 to vector<32x128xi32>
    %select_n3A_441 = arith.select %gt3A_438, %broadcast_in_dim3A_440, %select_n3A_430 : vector<32x128xi1>, vector<32x128xi32>
    %get3A_442 = arith.constant 0 : index
    %get3A_443 = arith.constant 5120 : index
    %get3A_444 = vector.load %arg2[%get3A_442, %get3A_443] : memref<32x8192xf32, #tpu.memory_space<vmem>>, vector<32x128xf32>
    %mul3A_445 = arith.constant 64 : i32
    %mul3A_446 = arith.muli %arg1, %mul3A_445 : i32
    %add3A_447 = arith.constant 40 : i32
    %add3A_448 = arith.addi %mul3A_446, %add3A_447 : i32
    %gt3A_449 = arith.cmpf ogt, %get3A_444, %select_n3A_439 : vector<32x128xf32>
    %select_n3A_450 = arith.select %gt3A_449, %get3A_444, %select_n3A_439 : vector<32x128xi1>, vector<32x128xf32>
    %broadcast_in_dim3A_451 = vector.broadcast %add3A_448 : i32 to vector<32x128xi32>
    %select_n3A_452 = arith.select %gt3A_449, %broadcast_in_dim3A_451, %select_n3A_441 : vector<32x128xi1>, vector<32x128xi32>
    %get3A_453 = arith.constant 0 : index
    %get3A_454 = arith.constant 5248 : index
    %get3A_455 = vector.load %arg2[%get3A_453, %get3A_454] : memref<32x8192xf32, #tpu.memory_space<vmem>>, vector<32x128xf32>
    %mul3A_456 = arith.constant 64 : i32
    %mul3A_457 = arith.muli %arg1, %mul3A_456 : i32
    %add3A_458 = arith.constant 41 : i32
    %add3A_459 = arith.addi %mul3A_457, %add3A_458 : i32
    %gt3A_460 = arith.cmpf ogt, %get3A_455, %select_n3A_450 : vector<32x128xf32>
    %select_n3A_461 = arith.select %gt3A_460, %get3A_455, %select_n3A_450 : vector<32x128xi1>, vector<32x128xf32>
    %broadcast_in_dim3A_462 = vector.broadcast %add3A_459 : i32 to vector<32x128xi32>
    %select_n3A_463 = arith.select %gt3A_460, %broadcast_in_dim3A_462, %select_n3A_452 : vector<32x128xi1>, vector<32x128xi32>
    %get3A_464 = arith.constant 0 : index
    %get3A_465 = arith.constant 5376 : index
    %get3A_466 = vector.load %arg2[%get3A_464, %get3A_465] : memref<32x8192xf32, #tpu.memory_space<vmem>>, vector<32x128xf32>
    %mul3A_467 = arith.constant 64 : i32
    %mul3A_468 = arith.muli %arg1, %mul3A_467 : i32
    %add3A_469 = arith.constant 42 : i32
    %add3A_470 = arith.addi %mul3A_468, %add3A_469 : i32
    %gt3A_471 = arith.cmpf ogt, %get3A_466, %select_n3A_461 : vector<32x128xf32>
    %select_n3A_472 = arith.select %gt3A_471, %get3A_466, %select_n3A_461 : vector<32x128xi1>, vector<32x128xf32>
    %broadcast_in_dim3A_473 = vector.broadcast %add3A_470 : i32 to vector<32x128xi32>
    %select_n3A_474 = arith.select %gt3A_471, %broadcast_in_dim3A_473, %select_n3A_463 : vector<32x128xi1>, vector<32x128xi32>
    %get3A_475 = arith.constant 0 : index
    %get3A_476 = arith.constant 5504 : index
    %get3A_477 = vector.load %arg2[%get3A_475, %get3A_476] : memref<32x8192xf32, #tpu.memory_space<vmem>>, vector<32x128xf32>
    %mul3A_478 = arith.constant 64 : i32
    %mul3A_479 = arith.muli %arg1, %mul3A_478 : i32
    %add3A_480 = arith.constant 43 : i32
    %add3A_481 = arith.addi %mul3A_479, %add3A_480 : i32
    %gt3A_482 = arith.cmpf ogt, %get3A_477, %select_n3A_472 : vector<32x128xf32>
    %select_n3A_483 = arith.select %gt3A_482, %get3A_477, %select_n3A_472 : vector<32x128xi1>, vector<32x128xf32>
    %broadcast_in_dim3A_484 = vector.broadcast %add3A_481 : i32 to vector<32x128xi32>
    %select_n3A_485 = arith.select %gt3A_482, %broadcast_in_dim3A_484, %select_n3A_474 : vector<32x128xi1>, vector<32x128xi32>
    %get3A_486 = arith.constant 0 : index
    %get3A_487 = arith.constant 5632 : index
    %get3A_488 = vector.load %arg2[%get3A_486, %get3A_487] : memref<32x8192xf32, #tpu.memory_space<vmem>>, vector<32x128xf32>
    %mul3A_489 = arith.constant 64 : i32
    %mul3A_490 = arith.muli %arg1, %mul3A_489 : i32
    %add3A_491 = arith.constant 44 : i32
    %add3A_492 = arith.addi %mul3A_490, %add3A_491 : i32
    %gt3A_493 = arith.cmpf ogt, %get3A_488, %select_n3A_483 : vector<32x128xf32>
    %select_n3A_494 = arith.select %gt3A_493, %get3A_488, %select_n3A_483 : vector<32x128xi1>, vector<32x128xf32>
    %broadcast_in_dim3A_495 = vector.broadcast %add3A_492 : i32 to vector<32x128xi32>
    %select_n3A_496 = arith.select %gt3A_493, %broadcast_in_dim3A_495, %select_n3A_485 : vector<32x128xi1>, vector<32x128xi32>
    %get3A_497 = arith.constant 0 : index
    %get3A_498 = arith.constant 5760 : index
    %get3A_499 = vector.load %arg2[%get3A_497, %get3A_498] : memref<32x8192xf32, #tpu.memory_space<vmem>>, vector<32x128xf32>
    %mul3A_500 = arith.constant 64 : i32
    %mul3A_501 = arith.muli %arg1, %mul3A_500 : i32
    %add3A_502 = arith.constant 45 : i32
    %add3A_503 = arith.addi %mul3A_501, %add3A_502 : i32
    %gt3A_504 = arith.cmpf ogt, %get3A_499, %select_n3A_494 : vector<32x128xf32>
    %select_n3A_505 = arith.select %gt3A_504, %get3A_499, %select_n3A_494 : vector<32x128xi1>, vector<32x128xf32>
    %broadcast_in_dim3A_506 = vector.broadcast %add3A_503 : i32 to vector<32x128xi32>
    %select_n3A_507 = arith.select %gt3A_504, %broadcast_in_dim3A_506, %select_n3A_496 : vector<32x128xi1>, vector<32x128xi32>
    %get3A_508 = arith.constant 0 : index
    %get3A_509 = arith.constant 5888 : index
    %get3A_510 = vector.load %arg2[%get3A_508, %get3A_509] : memref<32x8192xf32, #tpu.memory_space<vmem>>, vector<32x128xf32>
    %mul3A_511 = arith.constant 64 : i32
    %mul3A_512 = arith.muli %arg1, %mul3A_511 : i32
    %add3A_513 = arith.constant 46 : i32
    %add3A_514 = arith.addi %mul3A_512, %add3A_513 : i32
    %gt3A_515 = arith.cmpf ogt, %get3A_510, %select_n3A_505 : vector<32x128xf32>
    %select_n3A_516 = arith.select %gt3A_515, %get3A_510, %select_n3A_505 : vector<32x128xi1>, vector<32x128xf32>
    %broadcast_in_dim3A_517 = vector.broadcast %add3A_514 : i32 to vector<32x128xi32>
    %select_n3A_518 = arith.select %gt3A_515, %broadcast_in_dim3A_517, %select_n3A_507 : vector<32x128xi1>, vector<32x128xi32>
    %get3A_519 = arith.constant 0 : index
    %get3A_520 = arith.constant 6016 : index
    %get3A_521 = vector.load %arg2[%get3A_519, %get3A_520] : memref<32x8192xf32, #tpu.memory_space<vmem>>, vector<32x128xf32>
    %mul3A_522 = arith.constant 64 : i32
    %mul3A_523 = arith.muli %arg1, %mul3A_522 : i32
    %add3A_524 = arith.constant 47 : i32
    %add3A_525 = arith.addi %mul3A_523, %add3A_524 : i32
    %gt3A_526 = arith.cmpf ogt, %get3A_521, %select_n3A_516 : vector<32x128xf32>
    %select_n3A_527 = arith.select %gt3A_526, %get3A_521, %select_n3A_516 : vector<32x128xi1>, vector<32x128xf32>
    %broadcast_in_dim3A_528 = vector.broadcast %add3A_525 : i32 to vector<32x128xi32>
    %select_n3A_529 = arith.select %gt3A_526, %broadcast_in_dim3A_528, %select_n3A_518 : vector<32x128xi1>, vector<32x128xi32>
    %get3A_530 = arith.constant 0 : index
    %get3A_531 = arith.constant 6144 : index
    %get3A_532 = vector.load %arg2[%get3A_530, %get3A_531] : memref<32x8192xf32, #tpu.memory_space<vmem>>, vector<32x128xf32>
    %mul3A_533 = arith.constant 64 : i32
    %mul3A_534 = arith.muli %arg1, %mul3A_533 : i32
    %add3A_535 = arith.constant 48 : i32
    %add3A_536 = arith.addi %mul3A_534, %add3A_535 : i32
    %gt3A_537 = arith.cmpf ogt, %get3A_532, %select_n3A_527 : vector<32x128xf32>
    %select_n3A_538 = arith.select %gt3A_537, %get3A_532, %select_n3A_527 : vector<32x128xi1>, vector<32x128xf32>
    %broadcast_in_dim3A_539 = vector.broadcast %add3A_536 : i32 to vector<32x128xi32>
    %select_n3A_540 = arith.select %gt3A_537, %broadcast_in_dim3A_539, %select_n3A_529 : vector<32x128xi1>, vector<32x128xi32>
    %get3A_541 = arith.constant 0 : index
    %get3A_542 = arith.constant 6272 : index
    %get3A_543 = vector.load %arg2[%get3A_541, %get3A_542] : memref<32x8192xf32, #tpu.memory_space<vmem>>, vector<32x128xf32>
    %mul3A_544 = arith.constant 64 : i32
    %mul3A_545 = arith.muli %arg1, %mul3A_544 : i32
    %add3A_546 = arith.constant 49 : i32
    %add3A_547 = arith.addi %mul3A_545, %add3A_546 : i32
    %gt3A_548 = arith.cmpf ogt, %get3A_543, %select_n3A_538 : vector<32x128xf32>
    %select_n3A_549 = arith.select %gt3A_548, %get3A_543, %select_n3A_538 : vector<32x128xi1>, vector<32x128xf32>
    %broadcast_in_dim3A_550 = vector.broadcast %add3A_547 : i32 to vector<32x128xi32>
    %select_n3A_551 = arith.select %gt3A_548, %broadcast_in_dim3A_550, %select_n3A_540 : vector<32x128xi1>, vector<32x128xi32>
    %get3A_552 = arith.constant 0 : index
    %get3A_553 = arith.constant 6400 : index
    %get3A_554 = vector.load %arg2[%get3A_552, %get3A_553] : memref<32x8192xf32, #tpu.memory_space<vmem>>, vector<32x128xf32>
    %mul3A_555 = arith.constant 64 : i32
    %mul3A_556 = arith.muli %arg1, %mul3A_555 : i32
    %add3A_557 = arith.constant 50 : i32
    %add3A_558 = arith.addi %mul3A_556, %add3A_557 : i32
    %gt3A_559 = arith.cmpf ogt, %get3A_554, %select_n3A_549 : vector<32x128xf32>
    %select_n3A_560 = arith.select %gt3A_559, %get3A_554, %select_n3A_549 : vector<32x128xi1>, vector<32x128xf32>
    %broadcast_in_dim3A_561 = vector.broadcast %add3A_558 : i32 to vector<32x128xi32>
    %select_n3A_562 = arith.select %gt3A_559, %broadcast_in_dim3A_561, %select_n3A_551 : vector<32x128xi1>, vector<32x128xi32>
    %get3A_563 = arith.constant 0 : index
    %get3A_564 = arith.constant 6528 : index
    %get3A_565 = vector.load %arg2[%get3A_563, %get3A_564] : memref<32x8192xf32, #tpu.memory_space<vmem>>, vector<32x128xf32>
    %mul3A_566 = arith.constant 64 : i32
    %mul3A_567 = arith.muli %arg1, %mul3A_566 : i32
    %add3A_568 = arith.constant 51 : i32
    %add3A_569 = arith.addi %mul3A_567, %add3A_568 : i32
    %gt3A_570 = arith.cmpf ogt, %get3A_565, %select_n3A_560 : vector<32x128xf32>
    %select_n3A_571 = arith.select %gt3A_570, %get3A_565, %select_n3A_560 : vector<32x128xi1>, vector<32x128xf32>
    %broadcast_in_dim3A_572 = vector.broadcast %add3A_569 : i32 to vector<32x128xi32>
    %select_n3A_573 = arith.select %gt3A_570, %broadcast_in_dim3A_572, %select_n3A_562 : vector<32x128xi1>, vector<32x128xi32>
    %get3A_574 = arith.constant 0 : index
    %get3A_575 = arith.constant 6656 : index
    %get3A_576 = vector.load %arg2[%get3A_574, %get3A_575] : memref<32x8192xf32, #tpu.memory_space<vmem>>, vector<32x128xf32>
    %mul3A_577 = arith.constant 64 : i32
    %mul3A_578 = arith.muli %arg1, %mul3A_577 : i32
    %add3A_579 = arith.constant 52 : i32
    %add3A_580 = arith.addi %mul3A_578, %add3A_579 : i32
    %gt3A_581 = arith.cmpf ogt, %get3A_576, %select_n3A_571 : vector<32x128xf32>
    %select_n3A_582 = arith.select %gt3A_581, %get3A_576, %select_n3A_571 : vector<32x128xi1>, vector<32x128xf32>
    %broadcast_in_dim3A_583 = vector.broadcast %add3A_580 : i32 to vector<32x128xi32>
    %select_n3A_584 = arith.select %gt3A_581, %broadcast_in_dim3A_583, %select_n3A_573 : vector<32x128xi1>, vector<32x128xi32>
    %get3A_585 = arith.constant 0 : index
    %get3A_586 = arith.constant 6784 : index
    %get3A_587 = vector.load %arg2[%get3A_585, %get3A_586] : memref<32x8192xf32, #tpu.memory_space<vmem>>, vector<32x128xf32>
    %mul3A_588 = arith.constant 64 : i32
    %mul3A_589 = arith.muli %arg1, %mul3A_588 : i32
    %add3A_590 = arith.constant 53 : i32
    %add3A_591 = arith.addi %mul3A_589, %add3A_590 : i32
    %gt3A_592 = arith.cmpf ogt, %get3A_587, %select_n3A_582 : vector<32x128xf32>
    %select_n3A_593 = arith.select %gt3A_592, %get3A_587, %select_n3A_582 : vector<32x128xi1>, vector<32x128xf32>
    %broadcast_in_dim3A_594 = vector.broadcast %add3A_591 : i32 to vector<32x128xi32>
    %select_n3A_595 = arith.select %gt3A_592, %broadcast_in_dim3A_594, %select_n3A_584 : vector<32x128xi1>, vector<32x128xi32>
    %get3A_596 = arith.constant 0 : index
    %get3A_597 = arith.constant 6912 : index
    %get3A_598 = vector.load %arg2[%get3A_596, %get3A_597] : memref<32x8192xf32, #tpu.memory_space<vmem>>, vector<32x128xf32>
    %mul3A_599 = arith.constant 64 : i32
    %mul3A_600 = arith.muli %arg1, %mul3A_599 : i32
    %add3A_601 = arith.constant 54 : i32
    %add3A_602 = arith.addi %mul3A_600, %add3A_601 : i32
    %gt3A_603 = arith.cmpf ogt, %get3A_598, %select_n3A_593 : vector<32x128xf32>
    %select_n3A_604 = arith.select %gt3A_603, %get3A_598, %select_n3A_593 : vector<32x128xi1>, vector<32x128xf32>
    %broadcast_in_dim3A_605 = vector.broadcast %add3A_602 : i32 to vector<32x128xi32>
    %select_n3A_606 = arith.select %gt3A_603, %broadcast_in_dim3A_605, %select_n3A_595 : vector<32x128xi1>, vector<32x128xi32>
    %get3A_607 = arith.constant 0 : index
    %get3A_608 = arith.constant 7040 : index
    %get3A_609 = vector.load %arg2[%get3A_607, %get3A_608] : memref<32x8192xf32, #tpu.memory_space<vmem>>, vector<32x128xf32>
    %mul3A_610 = arith.constant 64 : i32
    %mul3A_611 = arith.muli %arg1, %mul3A_610 : i32
    %add3A_612 = arith.constant 55 : i32
    %add3A_613 = arith.addi %mul3A_611, %add3A_612 : i32
    %gt3A_614 = arith.cmpf ogt, %get3A_609, %select_n3A_604 : vector<32x128xf32>
    %select_n3A_615 = arith.select %gt3A_614, %get3A_609, %select_n3A_604 : vector<32x128xi1>, vector<32x128xf32>
    %broadcast_in_dim3A_616 = vector.broadcast %add3A_613 : i32 to vector<32x128xi32>
    %select_n3A_617 = arith.select %gt3A_614, %broadcast_in_dim3A_616, %select_n3A_606 : vector<32x128xi1>, vector<32x128xi32>
    %get3A_618 = arith.constant 0 : index
    %get3A_619 = arith.constant 7168 : index
    %get3A_620 = vector.load %arg2[%get3A_618, %get3A_619] : memref<32x8192xf32, #tpu.memory_space<vmem>>, vector<32x128xf32>
    %mul3A_621 = arith.constant 64 : i32
    %mul3A_622 = arith.muli %arg1, %mul3A_621 : i32
    %add3A_623 = arith.constant 56 : i32
    %add3A_624 = arith.addi %mul3A_622, %add3A_623 : i32
    %gt3A_625 = arith.cmpf ogt, %get3A_620, %select_n3A_615 : vector<32x128xf32>
    %select_n3A_626 = arith.select %gt3A_625, %get3A_620, %select_n3A_615 : vector<32x128xi1>, vector<32x128xf32>
    %broadcast_in_dim3A_627 = vector.broadcast %add3A_624 : i32 to vector<32x128xi32>
    %select_n3A_628 = arith.select %gt3A_625, %broadcast_in_dim3A_627, %select_n3A_617 : vector<32x128xi1>, vector<32x128xi32>
    %get3A_629 = arith.constant 0 : index
    %get3A_630 = arith.constant 7296 : index
    %get3A_631 = vector.load %arg2[%get3A_629, %get3A_630] : memref<32x8192xf32, #tpu.memory_space<vmem>>, vector<32x128xf32>
    %mul3A_632 = arith.constant 64 : i32
    %mul3A_633 = arith.muli %arg1, %mul3A_632 : i32
    %add3A_634 = arith.constant 57 : i32
    %add3A_635 = arith.addi %mul3A_633, %add3A_634 : i32
    %gt3A_636 = arith.cmpf ogt, %get3A_631, %select_n3A_626 : vector<32x128xf32>
    %select_n3A_637 = arith.select %gt3A_636, %get3A_631, %select_n3A_626 : vector<32x128xi1>, vector<32x128xf32>
    %broadcast_in_dim3A_638 = vector.broadcast %add3A_635 : i32 to vector<32x128xi32>
    %select_n3A_639 = arith.select %gt3A_636, %broadcast_in_dim3A_638, %select_n3A_628 : vector<32x128xi1>, vector<32x128xi32>
    %get3A_640 = arith.constant 0 : index
    %get3A_641 = arith.constant 7424 : index
    %get3A_642 = vector.load %arg2[%get3A_640, %get3A_641] : memref<32x8192xf32, #tpu.memory_space<vmem>>, vector<32x128xf32>
    %mul3A_643 = arith.constant 64 : i32
    %mul3A_644 = arith.muli %arg1, %mul3A_643 : i32
    %add3A_645 = arith.constant 58 : i32
    %add3A_646 = arith.addi %mul3A_644, %add3A_645 : i32
    %gt3A_647 = arith.cmpf ogt, %get3A_642, %select_n3A_637 : vector<32x128xf32>
    %select_n3A_648 = arith.select %gt3A_647, %get3A_642, %select_n3A_637 : vector<32x128xi1>, vector<32x128xf32>
    %broadcast_in_dim3A_649 = vector.broadcast %add3A_646 : i32 to vector<32x128xi32>
    %select_n3A_650 = arith.select %gt3A_647, %broadcast_in_dim3A_649, %select_n3A_639 : vector<32x128xi1>, vector<32x128xi32>
    %get3A_651 = arith.constant 0 : index
    %get3A_652 = arith.constant 7552 : index
    %get3A_653 = vector.load %arg2[%get3A_651, %get3A_652] : memref<32x8192xf32, #tpu.memory_space<vmem>>, vector<32x128xf32>
    %mul3A_654 = arith.constant 64 : i32
    %mul3A_655 = arith.muli %arg1, %mul3A_654 : i32
    %add3A_656 = arith.constant 59 : i32
    %add3A_657 = arith.addi %mul3A_655, %add3A_656 : i32
    %gt3A_658 = arith.cmpf ogt, %get3A_653, %select_n3A_648 : vector<32x128xf32>
    %select_n3A_659 = arith.select %gt3A_658, %get3A_653, %select_n3A_648 : vector<32x128xi1>, vector<32x128xf32>
    %broadcast_in_dim3A_660 = vector.broadcast %add3A_657 : i32 to vector<32x128xi32>
    %select_n3A_661 = arith.select %gt3A_658, %broadcast_in_dim3A_660, %select_n3A_650 : vector<32x128xi1>, vector<32x128xi32>
    %get3A_662 = arith.constant 0 : index
    %get3A_663 = arith.constant 7680 : index
    %get3A_664 = vector.load %arg2[%get3A_662, %get3A_663] : memref<32x8192xf32, #tpu.memory_space<vmem>>, vector<32x128xf32>
    %mul3A_665 = arith.constant 64 : i32
    %mul3A_666 = arith.muli %arg1, %mul3A_665 : i32
    %add3A_667 = arith.constant 60 : i32
    %add3A_668 = arith.addi %mul3A_666, %add3A_667 : i32
    %gt3A_669 = arith.cmpf ogt, %get3A_664, %select_n3A_659 : vector<32x128xf32>
    %select_n3A_670 = arith.select %gt3A_669, %get3A_664, %select_n3A_659 : vector<32x128xi1>, vector<32x128xf32>
    %broadcast_in_dim3A_671 = vector.broadcast %add3A_668 : i32 to vector<32x128xi32>
    %select_n3A_672 = arith.select %gt3A_669, %broadcast_in_dim3A_671, %select_n3A_661 : vector<32x128xi1>, vector<32x128xi32>
    %get3A_673 = arith.constant 0 : index
    %get3A_674 = arith.constant 7808 : index
    %get3A_675 = vector.load %arg2[%get3A_673, %get3A_674] : memref<32x8192xf32, #tpu.memory_space<vmem>>, vector<32x128xf32>
    %mul3A_676 = arith.constant 64 : i32
    %mul3A_677 = arith.muli %arg1, %mul3A_676 : i32
    %add3A_678 = arith.constant 61 : i32
    %add3A_679 = arith.addi %mul3A_677, %add3A_678 : i32
    %gt3A_680 = arith.cmpf ogt, %get3A_675, %select_n3A_670 : vector<32x128xf32>
    %select_n3A_681 = arith.select %gt3A_680, %get3A_675, %select_n3A_670 : vector<32x128xi1>, vector<32x128xf32>
    %broadcast_in_dim3A_682 = vector.broadcast %add3A_679 : i32 to vector<32x128xi32>
    %select_n3A_683 = arith.select %gt3A_680, %broadcast_in_dim3A_682, %select_n3A_672 : vector<32x128xi1>, vector<32x128xi32>
    %get3A_684 = arith.constant 0 : index
    %get3A_685 = arith.constant 7936 : index
    %get3A_686 = vector.load %arg2[%get3A_684, %get3A_685] : memref<32x8192xf32, #tpu.memory_space<vmem>>, vector<32x128xf32>
    %mul3A_687 = arith.constant 64 : i32
    %mul3A_688 = arith.muli %arg1, %mul3A_687 : i32
    %add3A_689 = arith.constant 62 : i32
    %add3A_690 = arith.addi %mul3A_688, %add3A_689 : i32
    %gt3A_691 = arith.cmpf ogt, %get3A_686, %select_n3A_681 : vector<32x128xf32>
    %select_n3A_692 = arith.select %gt3A_691, %get3A_686, %select_n3A_681 : vector<32x128xi1>, vector<32x128xf32>
    %broadcast_in_dim3A_693 = vector.broadcast %add3A_690 : i32 to vector<32x128xi32>
    %select_n3A_694 = arith.select %gt3A_691, %broadcast_in_dim3A_693, %select_n3A_683 : vector<32x128xi1>, vector<32x128xi32>
    %get3A_695 = arith.constant 0 : index
    %get3A_696 = arith.constant 8064 : index
    %get3A_697 = vector.load %arg2[%get3A_695, %get3A_696] : memref<32x8192xf32, #tpu.memory_space<vmem>>, vector<32x128xf32>
    %mul3A_698 = arith.constant 64 : i32
    %mul3A_699 = arith.muli %arg1, %mul3A_698 : i32
    %add3A_700 = arith.constant 63 : i32
    %add3A_701 = arith.addi %mul3A_699, %add3A_700 : i32
    %gt3A_702 = arith.cmpf ogt, %get3A_697, %select_n3A_692 : vector<32x128xf32>
    %select_n3A_703 = arith.select %gt3A_702, %get3A_697, %select_n3A_692 : vector<32x128xi1>, vector<32x128xf32>
    %broadcast_in_dim3A_704 = vector.broadcast %add3A_701 : i32 to vector<32x128xi32>
    %select_n3A_705 = arith.select %gt3A_702, %broadcast_in_dim3A_704, %select_n3A_694 : vector<32x128xi1>, vector<32x128xi32>
    %swap3A = arith.constant 0 : index
    %swap3A_706 = arith.constant 0 : index
    %swap3A_707 = vector.load %arg4[%swap3A, %swap3A_706] : memref<32x128xf32, #tpu.memory_space<vmem>>, vector<32x128xf32>
    tpu.vector_store %arg4[%swap3A, %swap3A_706], %select_n3A_703 {strides = array<i32>} : memref<32x128xf32, #tpu.memory_space<vmem>>, vector<32x128xf32>,
    %swap3A_708 = arith.constant 0 : index
    %swap3A_709 = arith.constant 0 : index
    %swap3A_710 = vector.load %arg5[%swap3A_708, %swap3A_709] : memref<32x128xi32, #tpu.memory_space<vmem>>, vector<32x128xi32>
    tpu.vector_store %arg5[%swap3A_708, %swap3A_709], %select_n3A_705 {strides = array<i32>} : memref<32x128xi32, #tpu.memory_space<vmem>>, vector<32x128xi32>,
    %eq3A_711 = arith.constant 3 : i32
    %eq3A_712 = arith.cmpi eq, %arg1, %eq3A_711 : i32
    %convert_element_type3A_713 = arith.extui %eq3A_712 : i1 to i32
    %cond3A_714 = arith.constant 0 : i32
    %cond3A_715 = arith.cmpi ne, %convert_element_type3A_713, %cond3A_714 : i32
    scf.if %cond3A_715 {
      %iota3A = tpu.iota {dimensions = array<i32: 1>} : vector<32x128xi32>
      %mul3A_716 = arith.constant 128 : i32
      %mul3A_717 = vector.broadcast %mul3A_716 : i32 to vector<32x128xi32>
      %mul3A_718 = arith.muli %select_n3A_705, %mul3A_717 : vector<32x128xi32>
      %add3A_719 = arith.addi %mul3A_718, %iota3A : vector<32x128xi32>
      %reduce_max3A = arith.constant dense<0xFF800000> : vector<32xf32>
      %reduce_max3A_720 = vector.multi_reduction <maximumf>, %select_n3A_703, %reduce_max3A [1] : vector<32x128xf32> to vector<32xf32>
      %broadcast_in_dim3A_721 = vector.shape_cast %reduce_max3A_720 : vector<32xf32> to vector<32x1xf32>
      %eq3A_722 = vector.broadcast %broadcast_in_dim3A_721 : vector<32x1xf32> to vector<32x128xf32>
      %eq3A_723 = arith.cmpf oeq, %select_n3A_703, %eq3A_722 : vector<32x128xf32>
      %jit3A = arith.constant 2147483647 : i32
      %broadcast_in_dim3A_724 = vector.broadcast %jit3A : i32 to vector<32x128xi32>
      %select_n3A_725 = arith.select %eq3A_723, %add3A_719, %broadcast_in_dim3A_724 : vector<32x128xi1>, vector<32x128xi32>
      %reduce_min3A = arith.constant dense<2147483647> : vector<32xi32>
      %reduce_min3A_726 = vector.multi_reduction <minsi>, %select_n3A_725, %reduce_min3A [1] : vector<32x128xi32> to vector<32xi32>
      %reshape3A = vector.shape_cast %reduce_min3A_726 : vector<32xi32> to vector<1x1x32xi32>
      %swap3A_727 = arith.constant 0 : index
      %swap3A_728 = arith.constant 0 : index
      %swap3A_729 = arith.constant 0 : index
      %swap3A_730 = vector.load %arg3[%swap3A_727, %swap3A_728, %swap3A_729] : memref<1x1x32xi32, #tpu.memory_space<vmem>>, vector<1x1x32xi32>
      tpu.vector_store %arg3[%swap3A_727, %swap3A_728, %swap3A_729], %reshape3A {strides = array<i32>} : memref<1x1x32xi32, #tpu.memory_space<vmem>>, vector<1x1x32xi32>,
    } else {
    }
    return
  }
  func.func @transform_0(%arg0: i32, %arg1: i32) -> (i32, i32) {
    %add3A = arith.constant 1 : i32
    %add3A_0 = arith.addi %arg0, %add3A : i32
    %c0_i32 = arith.constant 0 : i32
    return %add3A_0, %arg1 : i32, i32
  }
  func.func @transform_1(%arg0: i32, %arg1: i32) -> (i32, i32, i32) {
    %c0_i32 = arith.constant 0 : i32
    %c0_i32_0 = arith.constant 0 : i32
    %c0_i32_1 = arith.constant 0 : i32
    return %arg0, %c0_i32, %c0_i32_0 : i32, i32, i32
  }
}

</mosaic_0001>

<sc_bundles>
// kernel: kernel.4.cloned.1.call-start
scs
__scs_entry_jumppad:
0x0: {  	(pc) =	sbr.rel $0x88, $3  }
0x1: {  	(tag) =	ssettag $0x0;
	lr =	simm.s32 $0x1  }
0x2: {  	[smem:$0x3FA0] =	sst lr;
	_ =	strace $0xD0000000  }
0x3: {  	_ = 	snop  }
0x4: {  	_ = 	snop  }
0x5: {  	_ = 	snop  }
0x6: {  	_ = 	snop  }
0x7: {  	_ = 	snop  }
__scs_overlays_trampoline_lowered:
0x8: {  	[smem:$0x3FAF] =	sst s0  }
0x9: {  	[smem:$0x3FB0] =	sst s1  }
0xa: {  	[smem:$0x3FB1] =	sst s2  }
0xb: {  	[smem:$0x3FB2] =	sst s3  }
0xc: {  	[smem:$0x3FB3] =	sst s4  }
0xd: {  	[smem:$0x3FB4] =	sst s5  }
0xe: {  	[smem:$0x3FB5] =	sst s6  }
0xf: {  	[smem:$0x3FB6] =	sst s7  }
0x10: {  	[smem:$0x3FB7] =	sst s8  }
0x11: {  	[smem:$0x3FB8] =	sst s9;
	s0 =	simm.s32 @!p0 $0x0  }
0x12: {  	s1 =	sld [smem:$0x3F9E];
	s0 =	simm.s32 @p0 $0x1  }
0x13: {  	[smem:$0x3FB9] =	sst s0;
	s0 =	simm.s32 @!p1 $0x0  }
0x14: {  	s2 =	sld [smem:$0x3F9D];
	s0 =	simm.s32 @p1 $0x1  }
0x15: {  	[smem:$0x3FBA] =	sst s0;
	s0 =	simm.s32 @!p2 $0x0  }
0x16: {  	s3 =	sld [smem:$0x3FDB];
	s0 =	simm.s32 @p2 $0x1  }
0x17: {  	s4 =	simm.s32 $0x1BF5;
	[smem:$0x3FBC] =	sst s0  }
0x18: {  	s0 =	sld [smem:$0x3F9F];
	_ =	swait.ge [sflag:s4], $0x0  }
0x19: {  	s7 =	sld [smem:$0x3FA0]  }
0x1a: {  	s8 =	sadd.s32 $0xFFFFE003, lr  }
0x1b: {  	s9 =	sadd.s32 $0xFFFFFEF7, lr;
	s5 =	simm.s32 $0xFFFFFFFF;
	p2 =	slt.u32 s8, $0xFFFFF086  }
0x1c: {  	p1 =	slt.u32 s9, $0xF7A;
	s5 =	simm.s32 @!p2 $0x0  }
0x1d: {  	s5 =	simm.s32 @p1 $0x1;
	p0 =	seq.s32 s7, s2  }
0x1e: {  	s7 =	smul.u32 @!p0 $0xF7A, s2;
	p2 =	seq.s32 @!p0 s5, $0x0  }
0x1f: {  	s9 =	smul.u32 $0xF7A, s1;
	s8 =	simm.s32 @!p0 $0x1BF5;
	p2 =	por !p2, p0  }
0x20: {  	[sflag:s8] =	ssyncset.s32 @!p0 $0xFFFFF086;
	s6 =	sadd.s32 @!p0 s3, s7;
	s7 =	simm.s32 @!p0 $0x108  }
0x21: {  	s3 =	sadd.s32 s3, s9;
	s6 =	sadd.s32 @!p0 $0x88, s6;
	s7 =	simm.s32 @p2 $0x1082  }
0x22: {  	[simem:s7], [sflag:s8] =	dma.local @!p0 [hbm:s6], $0xF7A  }
0x23: {  	s9 =	sor.u32 $0xD0000000, s2;
	s6 =	simm.s32 $0x108;
	_ =	swait.ge @!p0 [sflag:s8], $0x0  }
0x24: {  	s3 =	sadd.s32 $0x88, s3;
	s6 =	simm.s32 @!p1 $0x1082;
	[sflag:s4] =	ssyncset.s32 $0xFFFFF086  }
0x25: {  	[simem:s6], [sflag:s4] =	dma.local [hbm:s3], $0xF7A  }
0x26: {  	[smem:$0x3FA0] =	sst s1;
	(tag) =	ssettag s2;
	_ =	strace s9  }
0x27: {  	s1 =	sld [smem:$0x3FB0]  }
0x28: {  	s2 =	sld [smem:$0x3FB1]  }
0x29: {  	s4 =	sld [smem:$0x3FB3]  }
0x2a: {  	p0 =	seq.s32 s5, $0x0;
	s5 =	sld [smem:$0x3FB4]  }
0x2b: {  	s6 =	sld [smem:$0x3FB5]  }
0x2c: {  	s7 =	sld [smem:$0x3FB6]  }
0x2d: {  	s3 =	simm.s32 $0x108;
	s8 =	sld [smem:$0x3FB7]  }
0x2e: {  	s3 =	simm.s32 @!p0 $0x1082;
	s9 =	sld [smem:$0x3FB8]  }
0x2f: {  	lr =	sadd.s32 s0, s3;
	s0 =	sld [smem:$0x3FAF]  }
0x30: {  	s3 =	sld [smem:$0x3FB2]  }
0x31: {  	[smem:$0x3FBB] =	sst s10  }
0x32: {  	s10 =	sld [smem:$0x3FB9];
	_ =	sdelay $0x3  }
0x33: {  	p0 =	seq.s32 s10, $0x1;
	s10 =	sld [smem:$0x3FBB];
	_ =	sdelay $0x3  }
0x34: {  	[smem:$0x3FBB] =	sst s10  }
0x35: {  	s10 =	sld [smem:$0x3FBA];
	_ =	sdelay $0x3  }
0x36: {  	p1 =	seq.s32 s10, $0x1;
	s10 =	sld [smem:$0x3FBB];
	_ =	sdelay $0x3  }
0x37: {  	[smem:$0x3FBB] =	sst s10  }
0x38: {  	s10 =	sld [smem:$0x3FBC]  }
0x39: {  	_ = 	snop;
	(pc) =	sbr.ind lr, $3  }
0x3a: {  	_ = 	snop  }
0x3b: {  	_ = 	snop  }
0x3c: {  	p2 =	seq.s32 s10, $0x1;
	s10 =	sld [smem:$0x3FBB]  }
0x3d: {  	_ =	shalt  }
0x3e: {  	_ =	shalt  }
0x3f: {  	_ =	shalt  }
0x40: {  	_ =	shalt  }
0x41: {  	_ =	shalt  }
0x42: {  	_ =	shalt  }
0x43: {  	_ =	shalt  }
0x44: {  	_ =	shalt  }
0x45: {  	_ =	shalt  }
0x46: {  	_ =	shalt  }
0x47: {  	_ =	shalt  }
0x48: {  	_ =	shalt  }
0x49: {  	_ =	shalt  }
0x4a: {  	_ =	shalt  }
0x4b: {  	_ =	shalt  }
0x4c: {  	_ =	shalt  }
0x4d: {  	_ =	shalt  }
0x4e: {  	_ =	shalt  }
0x4f: {  	_ =	shalt  }
0x50: {  	_ =	shalt  }
0x51: {  	_ =	shalt  }
0x52: {  	_ =	shalt  }
0x53: {  	_ =	shalt  }
0x54: {  	_ =	shalt  }
0x55: {  	_ =	shalt  }
0x56: {  	_ =	shalt  }
0x57: {  	_ =	shalt  }
0x58: {  	_ =	shalt  }
0x59: {  	_ =	shalt  }
0x5a: {  	_ =	shalt  }
0x5b: {  	_ =	shalt  }
0x5c: {  	_ =	shalt  }
0x5d: {  	_ =	shalt  }
0x5e: {  	_ =	shalt  }
0x5f: {  	_ =	shalt  }
0x60: {  	_ =	shalt  }
0x61: {  	_ =	shalt  }
0x62: {  	_ =	shalt  }
0x63: {  	_ =	shalt  }
0x64: {  	_ =	shalt  }
0x65: {  	_ =	shalt  }
0x66: {  	_ =	shalt  }
0x67: {  	_ =	shalt  }
0x68: {  	_ =	shalt  }
0x69: {  	_ =	shalt  }
0x6a: {  	_ =	shalt  }
0x6b: {  	_ =	shalt  }
0x6c: {  	_ =	shalt  }
0x6d: {  	_ =	shalt  }
0x6e: {  	_ =	shalt  }
0x6f: {  	_ =	shalt  }
0x70: {  	_ =	shalt  }
0x71: {  	_ =	shalt  }
0x72: {  	_ =	shalt  }
0x73: {  	_ =	shalt  }
0x74: {  	_ =	shalt  }
0x75: {  	_ =	shalt  }
0x76: {  	_ =	shalt  }
0x77: {  	_ =	shalt  }
0x78: {  	_ =	shalt  }
0x79: {  	_ =	shalt  }
0x7a: {  	_ =	shalt  }
0x7b: {  	_ =	shalt  }
0x7c: {  	_ =	shalt  }
0x7d: {  	_ =	shalt  }
0x7e: {  	_ =	shalt  }
0x7f: {  	_ =	shalt  }
0x80: {  	_ =	shalt  }
0x81: {  	_ =	shalt  }
0x82: {  	_ =	shalt  }
0x83: {  	_ =	shalt  }
0x84: {  	_ =	shalt  }
0x85: {  	_ =	shalt  }
0x86: {  	_ =	shalt  }
0x87: {  	_ =	shalt  }
.Lfunc_end0:
.L_simem_size_0:
called_computation_lowered:
.L_overlay_start_0:
0x88: {  	s2 =	sld [smem:$0x3FD9]  }
0x89: {  	s3 =	sld [smem:$0x3FFE];
	_ =	sdelay $0x1  }
0x8a: {  	s1 =	srdreg.scid  }
0x8b: {  	s0 =	sand.u32 $0x1, s1  }
0x8c: {  	s17 =	sshll.u32 s0, $0xA;
	s2 =	sadd.s32 s3, s2  }
0x8d: {  	s2 =	sadd.s32 s2, s17  }
0x8e: {  	[smem:$0x3FC7] =	sst s2  }
0x8f: {  	_ = 	snop  }
0x90: {  	s2 =	sld [smem:$0x3FC9];
	(tm) =	ssettm $0x1  }
0x91: {  	s18 =	sld [smem:$0x3FFB];
	_ =	sdelay $0x3  }
0x92: {  	_ =	strace s18  }
0x93: {  	s3 =	sld [smem:$0x3FFC];
	_ =	sdelay $0x3  }
0x94: {  	_ =	strace s3  }
0x95: {  	s3 =	sld [smem:$0x3FFD];
	_ =	sdelay $0x3  }
0x96: {  	_ =	strace s3  }
0x97: {  	_ =	strace $0x8FFFFFFF  }
0x98: {  	s19 =	sld [smem:$0x3FDB];
	_ =	sdelay $0x1  }
0x99: {  	s4 =	simm.s32 $_scs_section_size  }
0x9a: {  	s5 =	simm.s32 $_size__tile_overlayer_lowered;
	s6 =	simm.s32 $_tile_overlayer_lowered  }
0x9b: {  	s22 =	simm.s32 $0x1BFF;
	s21 =	sshll.u32 s6, $0x1;
	s3 =	sadd.s32 s4, s19  }
0x9c: {  	s7 =	simm.s32 $0x0;
	s20 =	sshll.u32 s5, $0x1;
	s5 =	sadd.s32 s21, s3  }
0x9d: {  	[timem:s7], [sflag:s22] =	dma.local [hbm:s5], s20  }
0x9e: {  	_ =	swait.ge [sflag:s22], s20  }
0x9f: {  	s4 =	ssub.s32 $0x0, s20;
	[sflag:s22] =	ssyncset.done $0x0  }
0xa0: {  	[sflag:s22] =	ssyncadd.s32 s4;
	_ =	sdelay $0x1  }
0xa1: {  	s23 =	simm.s32 $0x1B8B  }
0xa2: {  	_ =	swait.ge [sflag:s23], $0x1  }
0xa3: {  	[sflag:s23] =	ssyncset.done $0x0  }
0xa4: {  	s25 =	simm.s32 $0x1B8E;
	s24 =	sld [smem:$0x3FFE];
	[sflag:s23] =	ssyncadd.s32 $0xFFFFFFFF  }
0xa5: {  	s26 =	simm.s32 $execute0_lowered;
	[smem:$0x3FD2] =	sst s25  }
0xa6: {  	s5 =	sshll.u32 s26, $0x1;
	_ =	strace $0x80000046;
	[dreg:$0x1] =	wrdreg $0xFFFFFFFF  }
0xa7: {  	s28 =	simm.s32 $_size_execute0_lowered;
	s3 =	sadd.s32 s3, s5;
	[dreg:$0x0] =	wrdreg $0x0  }
0xa8: {  	s5 =	sshll.u32 s28, $0x1;
	[dreg:$0x2] =	wrdreg s3  }
0xa9: {  	[dreg:$0x3] =	wrdreg s5  }
0xaa: {  	[dreg:$0x4] =	wrdreg $0xC0  }
0xab: {  	_ =	task [dreg:s7], $0x5FFFF  }
0xac: {  	[dreg:$0x1] =	wrdreg $0xFFFFFFFF  }
0xad: {  	[dreg:$0x0] =	wrdreg $0x60  }
0xae: {  	[dreg:$0x2] =	wrdreg s2  }
0xaf: {  	[dreg:$0x3] =	wrdreg s24  }
0xb0: {  	[dreg:$0x4] =	wrdreg $0x9  }
0xb1: {  	_ =	task.clear_ibuf [dreg:s7], $0x5FFFF;
	_ =	strace $0x90000046  }
0xb2: {  	s29 =	simm.s32 $0x9;
	_ =	strace $0x80000048  }
0xb3: {  	_ =	swait.ge [sflag:s29], $0x1  }
0xb4: {  	[sflag:s29] =	ssyncadd.s32 $0xFFFFFFFF  }
0xb5: {  	_ =	strace $0x90000048  }
0xb6: {  	_ =	sfence  }
0xb7: {  	s30 =	sld [smem:$0x0];
	_ =	sdelay $0x2  }
0xb8: {  	s31 =	sshll.u32 s1, $0xD;
	s1 =	sshrl.u32 s1, $0x2  }
0xb9: {  	s3 =	sand.u32 $0x4000, s31;
	s1 =	sadd.s32 s1, s30  }
0xba: {  	s0 =	sor.u32 s3, s0;
	s1 =	sshll.u32 s1, $0x11  }
0xbb: {  	s0 =	sor.u32 s1, s0  }
0xbc: {  	s0 =	sadd.s32 $0x8F2B, s0  }
0xbd: {  	[sflag:s0] =	ssyncadd.remote.s32 $0x1  }
0xbe: {  	_ =	sfence.sel $0xFFFF  }
0xbf: {  	[dreg:$0x0] =	wrdreg $0xFFFFFFFF;
	(pc) =	sbr.abs _section_cstart, $3  }
0xc0: {  	[dreg:$0x1] =	wrdreg $0xFFFFFFFF  }
0xc1: {  	_ =	task.clear_ibuf [dreg:s7], $0x2FFFF;
	_ =	strace $0x9FFFFFFF  }
0xc2: {  	(tm) =	ssettm $0x7FFFFFFF  }
0xc3: {  	_ =	shalt  }
tec
execute0_lowered:
.L_overlay_start_1:
0x0: {  	(tag) =	ssettag $0x1  }
0x1: {  	v1 =	vimm.s32 $0xEFCDAB89;
	v2 =	vimm.s32 $0x67452301  }
0x2: {  	v3 =	vunpack.c.l.s4.s8 v1;
	v2 =	vunpack.c.l.s4.s8 v2  }
0x3: {  	v0 =	vlaneseq.u32;
	s3 =	rddreg [dreg:$0x0];
	v4 =	vimm.s32 $0xDCFE98BA;
	v9 =	vimm.s32 $0x32107654  }
0x4: {  	s4 =	rddreg [dreg:$0x1];
	v10 =	vimm.s32 $0xFEDCBA98;
	v5 =	vunpack.c.0.s8.s32 v3;
	v6 =	vunpack.c.0.s8.s32 v2  }
0x5: {  	s0 =	rddreg [dreg:$0x2];
	s1 =	simm.s32 $0x0;
	s5 =	srdreg.scid;
	v1 =	vor.u32 $0x10, v0;
	v7 =	vunpack.c.l.s4.s8 v4;
	v4 =	vor.u32 $0x40, v0  }
0x6: {  	s2 =	stileid.u32;
	s10 =	simm.s32 $0x2;
	s11 =	simm.s32 $0x0;
	v10 =	vunpack.c.l.s4.s8 v10;
	v8 =	vcombine.low v6, v5;
	v5 =	vimm.s32 $0x54761032  }
0x7: {  	[smem:$0x7FF] =	sst s1;
	s5 =	sand.u32 $0x1, s5;
	s7 =	sshll.u32 s2, $0x8;
	v6 =	vunpack.c.0.s8.s32 v7;
	v7 =	vimm.s32 $0xBA98FEDC;
	v5 =	vunpack.c.l.s4.s8 v5  }
0x8: {  	s8 =	sshrl.u32 s2, $0x2;
	v9 =	vunpack.c.l.s4.s8 v9;
	_ =	strace $0x80000047;
	s6 =	ssub.s32 $0x2, s5;
	v2 =	vor.u32 $0x20, v0;
	v7 =	vunpack.c.l.s4.s8 v7  }
0x9: {  	s5 =	sshll.u32 s5, $0x7;
	s7 =	sand.u32 $0x300, s7;
	s31 =	sshll.u32 s8, $0x12;
	v10 =	vunpack.c.0.s8.s32 v10;
	v11 =	vunpack.c.0.s8.s32 v5;
	v5 =	vimm.s32 $0x76543210  }
0xa: {  	s8 =	sshll.u32 s8, $0xA;
	s5 =	sor.u32 s5, s7;
	s9 =	sshrl.u32 s6, $0x1;
	v9 =	vunpack.c.0.s8.s32 v9;
	v7 =	vunpack.c.0.s8.s32 v7;
	v12 =	vunpack.c.l.s4.s8 v5  }
0xb: {  	v3 =	vor.u32 $0x30, v0;
	s7 =	sor.u32 s31, s5;
	s5 =	sor.u32 s8, s5;
	s6 =	ssub.s32 s6, s9;
	v14 =	vand.u32 $0xF, v10;
	v8 =	vand.u32 $0xF, v8  }
0xc: {  	s8 =	simm.s32 $0x1;
	s7 =	sshrl.u32 s7, $0x3;
	s5 =	sshrl.u32 s5, $0x3;
	v11 =	vcombine.low v11, v6;
	v13 =	vcombine.low v9, v7;
	v12 =	vunpack.c.0.s8.s32 v12  }
0xd: {  	s9 =	simm.s32 $0x8000;
	s3 =	sadd.s32 s3, s7;
	s4 =	sadd.s32 s4, s5;
	v5 =	vor.u32 $0x50, v0;
	v6 =	vor.u32 $0x60, v0;
	v7 =	vor.u32 $0x70, v0  }
0xe: {  	s5 =	smax.u32 s6, $0x1;
	s6 =	simm.s32 $0x80;
	s7 =	simm.s32 $0x400;
	v9 =	vand.u32 $0xF, v11;
	v10 =	vand.u32 $0xF, v13;
	v11 =	vcombine.low v14, v12  }
.LBB2_1:
0xf: {  	[tilespmem:s1], [sflag:$0x1] =	stream.strided.gather [hbm4b:s3+s6], $0x8000, s7, s6, $0x38;
	[tilespmem:$0x8080] =	vst v63  }
0x10: {  	_ =	swait.ge [sflag:s8], $0x8000  }
0x11: {  	[sflag:s8] =	ssyncset.done $0x0  }
0x12: {  	s12 =	simm.s32 $0x40;
	[sflag:s8] =	ssyncadd.s32 $0xFFFF8000  }
0x13: {  	v12 =	vld [tilespmem:s12+$0xFFFFFFC0]  }
0x14: {  	v13 =	vld [tilespmem:s12+$0xFFFFFFD0]  }
0x15: {  	v14 =	vld [tilespmem:s12+$0xFFFFFFE0]  }
0x16: {  	v15 =	vld [tilespmem:s12+$0xFFFFFFF0]  }
0x17: {  	v16 =	vld [tilespmem:s12+$0x0]  }
0x18: {  	v17 =	vld [tilespmem:s12+$0x10]  }
0x19: {  	v18 =	vld [tilespmem:s12+$0x20];
	_ =	sdelay $0x1  }
0x1a: {  	v21 =	vimm.f32 $-Inf;
	s13 =	simm.s32 $0xC0;
	v24 =	vld [tilespmem:s12+$0x30]  }
0x1b: {  	v27 =	vimm.s32 $0x0;
	v34 =	vld [tilespmem:s13+$0xFFFFFFC0];
	vm0 =	vgt.f32 v12, v21;
	vm1 =	vgt.f32 v13, v21  }
0x1c: {  	v26 =	vld [tilespmem:s13+$0xFFFFFFD0];
	vm2 =	vgt.f32 v14, v21;
	vm3 =	vgt.f32 v15, v21;
	vm4 =	vgt.f32 v16, v21  }
0x1d: {  	v33 =	vld [tilespmem:s13+$0xFFFFFFE0];
	vm5 =	vgt.f32 v17, v21;
	vm6 =	vgt.f32 v18, v21;
	v29 =	vsel vm0, v12, v21  }
0x1e: {  	v22 =	vld [tilespmem:s13+$0xFFFFFFF0];
	v31 =	vsel vm0, s1, v27;
	v28 =	vsel vm1, v13, v21;
	v25 =	vsel vm2, v14, v21  }
0x1f: {  	v20 =	vld [tilespmem:s13+$0x0];
	v23 =	vsel vm3, v15, v21;
	v19 =	vsel vm4, v16, v21;
	vm0 =	vgt.f32 v24, v21  }
0x20: {  	v16 =	vld [tilespmem:s13+$0x10];
	v17 =	vsel vm5, v17, v21;
	v13 =	vsel vm6, v18, v21;
	v35 =	vsel vm1, s1, v27  }
0x21: {  	s14 =	simm.s32 $0x2;
	v15 =	vld [tilespmem:s13+$0x20];
	v32 =	vsel vm2, s1, v27;
	v30 =	vsel vm3, s1, v27;
	v18 =	vsel vm6, s1, v27  }
0x22: {  	s15 =	simm.s32 $0x0;
	s12 =	simm.s32 $0x1;
	v14 =	vld [tilespmem:s13+$0x30];
	s13 =	simm.s32 $0x140;
	v12 =	vsel vm0, v24, v21;
	v24 =	vsel vm4, s1, v27;
	v21 =	vsel vm5, s1, v27  }
.LBB2_2:
0x23: {  	v36 =	vld [tilespmem:s13+$0xFFFFFFC0];
	p0 =	sne.s32 s14, $0xFF;
	vm1 =	vgt.f32 v34, v29;
	vm2 =	vgt.f32 v26, v28;
	v27 =	vsel vm0, s15, v27;
	s15 =	smov.u32 s12;
	s12 =	smov.u32 s14  }
0x24: {  	v29 =	vsel vm1, v34, v29;
	v31 =	vsel vm1, s15, v31;
	v28 =	vsel vm2, v26, v28;
	v26 =	vld [tilespmem:s13+$0xFFFFFFD0]  }
0x25: {  	vm3 =	vgt.f32 v22, v23;
	vm1 =	vgt.f32 v33, v25;
	vm4 =	vgt.f32 v20, v19;
	v37 =	vld [tilespmem:s13+$0xFFFFFFE0]  }
.Ltmp0:
0x26: {  	v23 =	vsel vm3, v22, v23;
	v25 =	vsel vm1, v33, v25;
	v19 =	vsel vm4, v20, v19;
	v22 =	vld [tilespmem:s13+$0xFFFFFFF0];
	(pc) =	sbr.rel @p0 .LBB2_2-.Ltmp0, $4  }
0x27: {  	vm5 =	vgt.f32 v16, v17;
	vm6 =	vgt.f32 v15, v13;
	v20 =	vld [tilespmem:s13+$0x0];
	vm0 =	vgt.f32 v14, v12  }
0x28: {  	v17 =	vsel vm5, v16, v17;
	v13 =	vsel vm6, v15, v13;
	v16 =	vld [tilespmem:s13+$0x10];
	v12 =	vsel vm0, v14, v12;
	v34 =	vmovc v36  }
0x29: {  	v35 =	vsel vm2, s15, v35;
	v30 =	vsel vm3, s15, v30;
	v32 =	vsel vm1, s15, v32;
	v15 =	vld [tilespmem:s13+$0x20]  }
0x2a: {  	s14 =	sadd.s32 $0x1, s14;
	v24 =	vsel vm4, s15, v24;
	v21 =	vsel vm5, s15, v21;
	v18 =	vsel vm6, s15, v18;
	v14 =	vld [tilespmem:s13+$0x30];
	s13 =	sadd.s32 $0x80, s13;
	v33 =	vmovc v37  }
0x2b: {  	vm1 =	vgt.f32 v34, v29;
	vm2 =	vgt.f32 v26, v28  }
0x2c: {  	v27 =	vsel vm0, s15, v27;
	v31 =	vsel vm1, s12, v31;
	v35 =	vsel vm2, s12, v35  }
0x2d: {  	v29 =	vsel vm1, v34, v29;
	v31 =	vshll.u32 v31, $0x7;
	v50 =	vshll.u32 v35, $0x7  }
0x2e: {  	v26 =	vsel vm2, v26, v28;
	v51 =	vor.u32 v0, v31;
	v52 =	vor.u32 v1, v50  }
0x2f: {  	vm15 =	vgt.f32 v33, v25;
	vm1 =	veq.f32 v26, v29;
	vm6 =	vlt.s32 v52, v51  }
0x30: {  	v32 =	vsel vm15, s12, v32;
	vm3 =	vgt.f32 v26, v29;
	vm1 =	vmand vm1, vm6  }
0x31: {  	v25 =	vsel vm15, v33, v25;
	v32 =	vshll.u32 v32, $0x7;
	vm7 =	vmor vm3, vm1  }
0x32: {  	v53 =	vor.u32 v2, v32;
	v26 =	vsel vm7, v26, v29;
	v28 =	vsel vm7, v52, v51  }
0x33: {  	vm8 =	vgt.f32 v22, v23;
	vm9 =	veq.f32 v25, v26;
	vm10 =	vlt.s32 v53, v28  }
0x34: {  	v30 =	vsel vm8, s12, v30;
	vm11 =	vgt.f32 v25, v26;
	vm1 =	vmand vm9, vm10  }
0x35: {  	v22 =	vsel vm8, v22, v23;
	v54 =	vshll.u32 v30, $0x7;
	vm12 =	vmor vm11, vm1  }
0x36: {  	v23 =	vor.u32 v3, v54;
	v25 =	vsel vm12, v25, v26;
	v55 =	vsel vm12, v53, v28  }
0x37: {  	vm13 =	vgt.f32 v20, v19;
	vm14 =	veq.f32 v22, v25;
	vm15 =	vlt.s32 v23, v55  }
0x38: {  	v24 =	vsel vm13, s12, v24;
	vm6 =	vgt.f32 v22, v25;
	vm1 =	vmand vm14, vm15  }
0x39: {  	v19 =	vsel vm13, v20, v19;
	v56 =	vshll.u32 v24, $0x7;
	vm7 =	vmor vm6, vm1  }
0x3a: {  	v20 =	vor.u32 v4, v56;
	v22 =	vsel vm7, v22, v25;
	v23 =	vsel vm7, v23, v55  }
0x3b: {  	vm8 =	vgt.f32 v16, v17;
	vm9 =	veq.f32 v19, v22;
	vm10 =	vlt.s32 v20, v23  }
0x3c: {  	v21 =	vsel vm8, s12, v21;
	vm11 =	vgt.f32 v19, v22;
	vm1 =	vmand vm9, vm10  }
0x3d: {  	v16 =	vsel vm8, v16, v17;
	v57 =	vshll.u32 v21, $0x7;
	vm12 =	vmor vm11, vm1  }
0x3e: {  	v17 =	vor.u32 v5, v57;
	v19 =	vsel vm12, v19, v22;
	v20 =	vsel vm12, v20, v23  }
0x3f: {  	vm13 =	vgt.f32 v15, v13;
	vm14 =	veq.f32 v16, v19;
	vm15 =	vlt.s32 v17, v20  }
0x40: {  	v18 =	vsel vm13, s12, v18;
	vm6 =	vgt.f32 v16, v19;
	vm1 =	vmand vm14, vm15  }
0x41: {  	v13 =	vsel vm13, v15, v13;
	v58 =	vshll.u32 v18, $0x7;
	vm7 =	vmor vm6, vm1  }
0x42: {  	v15 =	vor.u32 v6, v58;
	v16 =	vsel vm7, v16, v19;
	v17 =	vsel vm7, v17, v20  }
0x43: {  	vm8 =	vgt.f32 v14, v12;
	vm9 =	veq.f32 v13, v16;
	vm10 =	vlt.s32 v15, v17  }
0x44: {  	v59 =	vsel vm8, s12, v27;
	vm11 =	vgt.f32 v13, v16;
	vm1 =	vmand vm9, vm10  }
0x45: {  	v12 =	vsel vm8, v14, v12;
	v60 =	vshll.u32 v59, $0x7;
	vm12 =	vmor vm11, vm1  }
0x46: {  	v14 =	vor.u32 v7, v60;
	v13 =	vsel vm12, v13, v16;
	v15 =	vsel vm12, v15, v17  }
0x47: {  	vm13 =	veq.f32 v12, v13;
	vm14 =	vlt.s32 v14, v15  }
0x48: {  	vm15 =	vgt.f32 v12, v13;
	vm0 =	vmand vm13, vm14  }
0x49: {  	vm0 =	vmor vm15, vm0  }
0x4a: {  	v12 =	vsel vm0, v12, v13;
	v61 =	vsel vm0, v14, v15  }
0x4b: {  	v62 =	vperm.xlane v12, v8;
	v15 =	vperm.xlane v61, v8;
	_ =	sdelay $0x1  }
0x4c: {  	vm4 =	veq.f32 v62, v12;
	vm5 =	vlt.s32 v15, v61  }
0x4d: {  	vm6 =	vgt.f32 v62, v12;
	vm0 =	vmand vm4, vm5  }
0x4e: {  	vm0 =	vmor vm6, vm0  }
0x4f: {  	v12 =	vsel vm0, v62, v12;
	v13 =	vsel vm0, v15, v61  }
0x50: {  	v14 =	vperm.xlane v12, v9;
	v15 =	vperm.xlane v13, v9;
	_ =	sdelay $0x1  }
0x51: {  	vm7 =	veq.f32 v14, v12;
	vm8 =	vlt.s32 v15, v13  }
0x52: {  	vm9 =	vgt.f32 v14, v12;
	vm0 =	vmand vm7, vm8  }
0x53: {  	vm0 =	vmor vm9, vm0  }
0x54: {  	v12 =	vsel vm0, v14, v12;
	v13 =	vsel vm0, v15, v13  }
0x55: {  	v14 =	vperm.xlane v12, v10;
	v15 =	vperm.xlane v13, v10;
	_ =	sdelay $0x1  }
0x56: {  	vm10 =	veq.f32 v14, v12;
	vm11 =	vlt.s32 v15, v13  }
0x57: {  	vm12 =	vgt.f32 v14, v12;
	vm0 =	vmand vm10, vm11  }
0x58: {  	vm0 =	vmor vm12, vm0  }
0x59: {  	v12 =	vsel vm0, v14, v12;
	v13 =	vsel vm0, v15, v13  }
0x5a: {  	v14 =	vperm.xlane v12, v11;
	v15 =	vperm.xlane v13, v11;
	_ =	sdelay $0x1  }
0x5b: {  	vm13 =	veq.f32 v14, v12;
	vm14 =	vlt.s32 v15, v13  }
0x5c: {  	vm15 =	vgt.f32 v14, v12;
	vm0 =	vmand vm13, vm14  }
0x5d: {  	s11 =	sadd.s32 $0x1, s11;
	vm0 =	vmor vm15, vm0  }
0x5e: {  	p0 =	sne.s32 s11, s5;
	v63 =	vsel vm0, v15, v13  }
.Ltmp1:
0x5f: {  	[tilespmem:$0x8000] =	vst v63;
	(pc) =	sbr.rel @p0 .LBB2_1-.Ltmp1, $4  }
0x60: {  	[hbm4b:s4+s1] =	stream.linear.scatter [tilespmem:s9], [sflag:$0x2], $0x80, $0x38;
	[tilespmem:$0x8080] =	vst v63  }
0x61: {  	_ =	swait.ge [sflag:s10], $0x80  }
0x62: {  	[sflag:s10] =	ssyncset.done $0x0  }
0x63: {  	[sflag:s10] =	ssyncadd.s32 $0xFFFFFF80  }
0x64: {  	_ =	sfence.sel $0x180000  }
0x65: {  	[bflag:$0x0] =	sbarrier.arrive $0xFFFF  }
0x66: {  	p0 =	sne.s32 s2, $0x0;
	_ =	strace $0x90000047  }
0x67: {  	s0 =	sadd.s32 @!p0 $0x100000, s0;
	[bflag:$0x2] =	sbarrier.arrive $0xFFFF  }
0x68: {  	[sflag:s0] =	ssyncadd.tile.s32 @!p0 $0x1;
	_ =	shalt  }
.Lfunc_end2:
_tile_overlayer_lowered:
.L_overlay_start_2:
0x69: {  	(tag) =	ssettag $0x2  }
0x6a: {  	s0 =	rddreg [dreg:$0x0];
	s2 =	stileid.u32  }
0x6b: {  	s1 =	rddreg [dreg:$0x1];
	p0 =	sne.s32 s2, $0x0  }
0x6c: {  	s3 =	rddreg [dreg:$0x2];
	[bflag:$0x3] =	sbarrier.arrive $0xFFFF;
	s2 =	simm.s32 @!p0 $0x1C02  }
0x6d: {  	[timem:s3], [sflag:s2] =	dma.local @!p0 [hbm:s0], s1  }
0x6e: {  	s0 =	simm.s32 @!p0 $0x2  }
0x6f: {  	_ =	swait.ge @!p0 [sflag:s0], s1  }
0x70: {  	s1 =	ssub.s32 @!p0 $0x0, s1;
	[sflag:s0] =	ssyncset.done @!p0 $0x0  }
0x71: {  	[sflag:s0] =	ssyncadd.s32 @!p0 s1  }
0x72: {  	[bflag:$0x3] =	sbarrier.arrive $0xFFFF  }
0x73: {  	_ =	shalt  }

</sc_bundles>
